<compile_context>
chip_gen: v7x
topology: tpu7x:2x2x1
jax: 0.10.2.dev20260603
libtpu: 0.0.44.dev20260713+nightly
codegen_flags: <defaults>
</compile_context>

<pallas_src>
import jax
import jax.numpy as jnp
from jax import lax
from jax.experimental import pallas as pl
from jax.experimental.pallas import tpu as pltpu
from jax.experimental.pallas import tpu_sc as plsc

SEQ_LEN = 200
EMBED_DIM = 64
NC = 2
NS = 16
NW = NC * NS


def _body(x_hbm, pos_hbm, tok_hbm, out_hbm,
          idx_v, pos_v, in0, in1, out0, out1, g0, g1, s0, s1):
    ins, outs, gsems, ssems = [in0, in1], [out0, out1], [g0, g1], [s0, s1]
    rows = x_hbm.shape[0] // NW
    wid = lax.axis_index("s") * NC + lax.axis_index("c")
    row_base = wid * rows

    pltpu.sync_copy(x_hbm.at[pl.ds(row_base, rows)], idx_v)
    pltpu.sync_copy(pos_hbm, pos_v)

    SPLITS = ((0, 128), (128, SEQ_LEN - 128))

    def gather_row(t, p):
        for lo, n in SPLITS:
            pltpu.async_copy(
                tok_hbm.at[idx_v.at[t, pl.ds(lo, n)]],
                ins[p].at[pl.ds(lo, n)], gsems[p])

    def wait_row(t, p):
        for lo, n in SPLITS:
            pltpu.make_async_copy(
                tok_hbm.at[idx_v.at[t, pl.ds(lo, n)]],
                ins[p].at[pl.ds(lo, n)], gsems[p]).wait()

    for p in range(2):
        gather_row(p, p)

    def outer(u, carry):
        for p in range(2):
            t = 2 * u + p
            wait_row(t, p)

            @pl.when(u >= 1)
            def _wait_store():
                pltpu.make_async_copy(outs[p], out_hbm.at[0], ssems[p]).wait()

            @plsc.parallel_loop(0, SEQ_LEN, unroll=8)
            def row_add(r):
                for j in range(EMBED_DIM // 16):
                    sl = pl.ds(16 * j, 16)
                    outs[p][r, sl] = ins[p][r, sl] + pos_v[r, sl]

            pltpu.async_copy(outs[p], out_hbm.at[row_base + t], ssems[p])

            @pl.when(t + 2 < rows)
            def _next_gather():
                gather_row(t + 2, p)
        return carry

    lax.fori_loop(0, rows // 2, outer, 0)

    for p in range(2):
        pltpu.make_async_copy(outs[p], out_hbm.at[0], ssems[p]).wait()


def _make_kernel(batch):
    mesh = plsc.VectorSubcoreMesh(core_axis_name="c", subcore_axis_name="s")
    rows = batch // NW
    return pl.kernel(
        _body,
        out_type=jax.ShapeDtypeStruct((batch, SEQ_LEN, EMBED_DIM), jnp.float32),
        mesh=mesh,
        scratch_types=[
            pltpu.VMEM((rows, SEQ_LEN), jnp.int32),
            pltpu.VMEM((SEQ_LEN, EMBED_DIM), jnp.float32),
            pltpu.VMEM((SEQ_LEN, EMBED_DIM), jnp.float32),
            pltpu.VMEM((SEQ_LEN, EMBED_DIM), jnp.float32),
            pltpu.VMEM((SEQ_LEN, EMBED_DIM), jnp.float32),
            pltpu.VMEM((SEQ_LEN, EMBED_DIM), jnp.float32),
            pltpu.SemaphoreType.DMA,
            pltpu.SemaphoreType.DMA,
            pltpu.SemaphoreType.DMA,
            pltpu.SemaphoreType.DMA,
        ],
        compiler_params=pltpu.CompilerParams(use_tc_tiling_on_sc=False),
    )


def kernel(x, token_table, pos_table):
    batch, seq = x.shape
    assert seq == SEQ_LEN
    run = _make_kernel(batch)
    return run(x.astype(jnp.int32), pos_table, token_table)

# --- scband reference (transcript-rebuilt; emitter-appended) ---
"""Pipeline reference for scband-positional-embedding-79027398246869 (READ-ONLY COPY).

The authoritative reference and input builder live on the scoring server;
editing this copy changes nothing except your own understanding.
"""

import jax, jax.numpy as jnp
import numpy as np

SEQ_LEN = 200
VOCAB = 1000000
EMBED_DIM = 64
BATCH = 4096

def setup_inputs(seed: int = 0) -> dict:
    key = jax.random.key(seed)
    k1, k2, k3 = jax.random.split(key, 3)
    x = jax.random.randint(k1, (BATCH, SEQ_LEN), 0, VOCAB, dtype=jnp.int64 if jax.config.jax_enable_x64 else jnp.int32)
    token_table = jax.random.normal(k2, (VOCAB, EMBED_DIM), dtype=jnp.float32) * 0.02
    pos_table = jax.random.normal(k3, (SEQ_LEN, EMBED_DIM), dtype=jnp.float32) * 0.02
    return {"x": x, "token_table": token_table, "pos_table": pos_table}

def reference(x, token_table, pos_table):
    # token embedding lookup: gather rows of token_table
    embedded_tokens = jnp.take(token_table, x, axis=0)  # [B, S, D]
    # positional embedding lookup over range(seq_len)
    positions = jnp.arange(x.shape[-1])
    embedded_positions = jnp.take(pos_table, positions, axis=0)  # [S, D]
    return embedded_tokens + embedded_positions[None, :, :]

if __name__ == "__main__":
    import jax
    _d = setup_inputs()
    print(jax.jit(kernel)(*tuple(_d.values())))

</pallas_src>

<mosaic_0001>
#map = affine_map<(d0, d1) -> (0, 0)>
#map1 = affine_map<(d0, d1) -> (0, 0, 0)>
module attributes {stable_mosaic.version = 14 : i64} {
  func.func @_body(%arg0: i32, %arg1: i32, %arg2: memref<4096x200xi32, #tpu.memory_space<hbm>>, %arg3: memref<200x64xf32, #tpu.memory_space<hbm>>, %arg4: memref<1000000x64xf32, #tpu.memory_space<hbm>>, %arg5: memref<4096x200x64xf32, #tpu.memory_space<hbm>>, %arg6: memref<128x200xi32, #tpu.memory_space<vmem>>, %arg7: memref<200x64xf32, #tpu.memory_space<vmem>>, %arg8: memref<200x64xf32, #tpu.memory_space<vmem>>, %arg9: memref<200x64xf32, #tpu.memory_space<vmem>>, %arg10: memref<200x64xf32, #tpu.memory_space<vmem>>, %arg11: memref<200x64xf32, #tpu.memory_space<vmem>>, %arg12: memref<!tpu.dma_semaphore, #tpu.memory_space<semaphore_mem>>, %arg13: memref<!tpu.dma_semaphore, #tpu.memory_space<semaphore_mem>>, %arg14: memref<!tpu.dma_semaphore, #tpu.memory_space<semaphore_mem>>, %arg15: memref<!tpu.dma_semaphore, #tpu.memory_space<semaphore_mem>>) attributes {dimension_semantics = [#tpu.dimension_semantics<core_parallel>, #tpu.dimension_semantics<subcore_parallel>], iteration_bounds = array<i64: 2, 16>, scalar_prefetch = 0 : i64, scratch_operands = 10 : i64, tpu.core_type = #tpu.core_type<sc_vector_subcore>, window_params = [{transform_indices = #map}, {transform_indices = #map}, {transform_indices = #map}, {transform_indices = #map1}]} {
    %mul3A = arith.constant 2 : i32
    %mul3A_0 = arith.muli %arg1, %mul3A : i32
    %add3A = arith.addi %mul3A_0, %arg0 : i32
    %mul3A_1 = arith.constant 128 : i32
    %mul3A_2 = arith.muli %add3A, %mul3A_1 : i32
    "tpu.region"() ({
      %run_scoped3A = tpu.sem_alloc : memref<!tpu.dma_semaphore, #tpu.memory_space<semaphore_mem>>
      %dma_start3A_64 = arith.constant 0 : i32
      %dma_start3A_65 = tpu.memref_slice %arg2[%mul3A_2, %dma_start3A_64] : memref<4096x200xi32, #tpu.memory_space<hbm>> -> memref<128x200xi32, #tpu.memory_space<hbm>>
      %dma_start3A_66 = arith.constant 0 : i32
      %dma_start3A_67 = tpu.memref_slice %arg2[%mul3A_2, %dma_start3A_66] : memref<4096x200xi32, #tpu.memory_space<hbm>> -> memref<128x200xi32, #tpu.memory_space<hbm>>
      tpu.enqueue_dma source(%dma_start3A_67 : memref<128x200xi32, #tpu.memory_space<hbm>>) target(%arg6 : memref<128x200xi32, #tpu.memory_space<vmem>>) target_semaphore(%run_scoped3A : memref<!tpu.dma_semaphore, #tpu.memory_space<semaphore_mem>>)
      %dma_wait3A_68 = arith.constant 0 : i32
      %dma_wait3A_69 = tpu.memref_slice %arg2[%mul3A_2, %dma_wait3A_68] : memref<4096x200xi32, #tpu.memory_space<hbm>> -> memref<128x200xi32, #tpu.memory_space<hbm>>
      %dma_wait3A_70 = arith.constant 0 : i32
      %dma_wait3A_71 = tpu.memref_slice %arg2[%mul3A_2, %dma_wait3A_70] : memref<4096x200xi32, #tpu.memory_space<hbm>> -> memref<128x200xi32, #tpu.memory_space<hbm>>
      tpu.wait_dma2 semaphore(%run_scoped3A : memref<!tpu.dma_semaphore, #tpu.memory_space<semaphore_mem>>) src(%dma_wait3A_71 : memref<128x200xi32, #tpu.memory_space<hbm>>) dst(%arg6 : memref<128x200xi32, #tpu.memory_space<vmem>>)
      tpu.yield
    }) : () -> ()
    "tpu.region"() ({
      %run_scoped3A = tpu.sem_alloc : memref<!tpu.dma_semaphore, #tpu.memory_space<semaphore_mem>>
      tpu.enqueue_dma source(%arg3 : memref<200x64xf32, #tpu.memory_space<hbm>>) target(%arg7 : memref<200x64xf32, #tpu.memory_space<vmem>>) target_semaphore(%run_scoped3A : memref<!tpu.dma_semaphore, #tpu.memory_space<semaphore_mem>>)
      tpu.wait_dma2 semaphore(%run_scoped3A : memref<!tpu.dma_semaphore, #tpu.memory_space<semaphore_mem>>) src(%arg3 : memref<200x64xf32, #tpu.memory_space<hbm>>) dst(%arg7 : memref<200x64xf32, #tpu.memory_space<vmem>>)
      tpu.yield
    }) : () -> ()
    %dma_start3A = arith.constant 0 : i32
    %dma_start3A_3 = arith.constant 0 : i32
    %dma_start3A_4 = arith.constant 0 : i32
    %dma_start3A_5 = tpu.memref_slice %arg8[%dma_start3A_3, %dma_start3A_4] : memref<200x64xf32, #tpu.memory_space<vmem>> -> memref<128x64xf32, #tpu.memory_space<vmem>>
    %dma_start3A_6 = arith.constant 0 : i32
    %dma_start3A_7 = tpu.memref_slice %arg6[%dma_start3A, %dma_start3A_6] : memref<128x200xi32, #tpu.memory_space<vmem>> -> memref<1x128xi32, #tpu.memory_space<vmem>>
    %dma_start3A_8 = tpu.memref_squeeze %dma_start3A_7 : memref<1x128xi32, #tpu.memory_space<vmem>> -> memref<128xi32, #tpu.memory_space<vmem>>
    %dma_start3A_9 = arith.constant 0 : i32
    %dma_start3A_10 = arith.constant 0 : i32
    %dma_start3A_11 = tpu.memref_slice %arg4[%dma_start3A_9, %dma_start3A_10] : memref<1000000x64xf32, #tpu.memory_space<hbm>> -> memref<1000000x64xf32, #tpu.memory_space<hbm>>
    tpu.enqueue_indirect_dma source(%dma_start3A_11 : memref<1000000x64xf32, #tpu.memory_space<hbm>>) target(%dma_start3A_5 : memref<128x64xf32, #tpu.memory_space<vmem>>) offsets(%dma_start3A_8 : memref<128xi32, #tpu.memory_space<vmem>>) semaphore(%arg12 : memref<!tpu.dma_semaphore, #tpu.memory_space<semaphore_mem>>)
    %dma_start3A_12 = arith.constant 0 : i32
    %dma_start3A_13 = arith.constant 128 : i32
    %dma_start3A_14 = arith.constant 0 : i32
    %dma_start3A_15 = tpu.memref_slice %arg8[%dma_start3A_13, %dma_start3A_14] : memref<200x64xf32, #tpu.memory_space<vmem>> -> memref<72x64xf32, #tpu.memory_space<vmem>>
    %dma_start3A_16 = arith.constant 128 : i32
    %dma_start3A_17 = tpu.memref_slice %arg6[%dma_start3A_12, %dma_start3A_16] : memref<128x200xi32, #tpu.memory_space<vmem>> -> memref<1x72xi32, #tpu.memory_space<vmem>>
    %dma_start3A_18 = tpu.memref_squeeze %dma_start3A_17 : memref<1x72xi32, #tpu.memory_space<vmem>> -> memref<72xi32, #tpu.memory_space<vmem>>
    %dma_start3A_19 = arith.constant 0 : i32
    %dma_start3A_20 = arith.constant 0 : i32
    %dma_start3A_21 = tpu.memref_slice %arg4[%dma_start3A_19, %dma_start3A_20] : memref<1000000x64xf32, #tpu.memory_space<hbm>> -> memref<1000000x64xf32, #tpu.memory_space<hbm>>
    tpu.enqueue_indirect_dma source(%dma_start3A_21 : memref<1000000x64xf32, #tpu.memory_space<hbm>>) target(%dma_start3A_15 : memref<72x64xf32, #tpu.memory_space<vmem>>) offsets(%dma_start3A_18 : memref<72xi32, #tpu.memory_space<vmem>>) semaphore(%arg12 : memref<!tpu.dma_semaphore, #tpu.memory_space<semaphore_mem>>)
    %dma_start3A_22 = arith.constant 1 : i32
    %dma_start3A_23 = arith.constant 0 : i32
    %dma_start3A_24 = arith.constant 0 : i32
    %dma_start3A_25 = tpu.memref_slice %arg9[%dma_start3A_23, %dma_start3A_24] : memref<200x64xf32, #tpu.memory_space<vmem>> -> memref<128x64xf32, #tpu.memory_space<vmem>>
    %dma_start3A_26 = arith.constant 0 : i32
    %dma_start3A_27 = tpu.memref_slice %arg6[%dma_start3A_22, %dma_start3A_26] : memref<128x200xi32, #tpu.memory_space<vmem>> -> memref<1x128xi32, #tpu.memory_space<vmem>>
    %dma_start3A_28 = tpu.memref_squeeze %dma_start3A_27 : memref<1x128xi32, #tpu.memory_space<vmem>> -> memref<128xi32, #tpu.memory_space<vmem>>
    %dma_start3A_29 = arith.constant 0 : i32
    %dma_start3A_30 = arith.constant 0 : i32
    %dma_start3A_31 = tpu.memref_slice %arg4[%dma_start3A_29, %dma_start3A_30] : memref<1000000x64xf32, #tpu.memory_space<hbm>> -> memref<1000000x64xf32, #tpu.memory_space<hbm>>
    tpu.enqueue_indirect_dma source(%dma_start3A_31 : memref<1000000x64xf32, #tpu.memory_space<hbm>>) target(%dma_start3A_25 : memref<128x64xf32, #tpu.memory_space<vmem>>) offsets(%dma_start3A_28 : memref<128xi32, #tpu.memory_space<vmem>>) semaphore(%arg13 : memref<!tpu.dma_semaphore, #tpu.memory_space<semaphore_mem>>)
    %dma_start3A_32 = arith.constant 1 : i32
    %dma_start3A_33 = arith.constant 128 : i32
    %dma_start3A_34 = arith.constant 0 : i32
    %dma_start3A_35 = tpu.memref_slice %arg9[%dma_start3A_33, %dma_start3A_34] : memref<200x64xf32, #tpu.memory_space<vmem>> -> memref<72x64xf32, #tpu.memory_space<vmem>>
    %dma_start3A_36 = arith.constant 128 : i32
    %dma_start3A_37 = tpu.memref_slice %arg6[%dma_start3A_32, %dma_start3A_36] : memref<128x200xi32, #tpu.memory_space<vmem>> -> memref<1x72xi32, #tpu.memory_space<vmem>>
    %dma_start3A_38 = tpu.memref_squeeze %dma_start3A_37 : memref<1x72xi32, #tpu.memory_space<vmem>> -> memref<72xi32, #tpu.memory_space<vmem>>
    %dma_start3A_39 = arith.constant 0 : i32
    %dma_start3A_40 = arith.constant 0 : i32
    %dma_start3A_41 = tpu.memref_slice %arg4[%dma_start3A_39, %dma_start3A_40] : memref<1000000x64xf32, #tpu.memory_space<hbm>> -> memref<1000000x64xf32, #tpu.memory_space<hbm>>
    tpu.enqueue_indirect_dma source(%dma_start3A_41 : memref<1000000x64xf32, #tpu.memory_space<hbm>>) target(%dma_start3A_35 : memref<72x64xf32, #tpu.memory_space<vmem>>) offsets(%dma_start3A_38 : memref<72xi32, #tpu.memory_space<vmem>>) semaphore(%arg13 : memref<!tpu.dma_semaphore, #tpu.memory_space<semaphore_mem>>)
    %scan3A = arith.constant 0 : i32
    %scan3A_42 = arith.constant 0 : i32
    %scan3A_43 = arith.constant 64 : i32
    %scan3A_44 = arith.addi %scan3A_42, %scan3A_43 : i32
    %scan3A_45 = arith.constant 1 : i32
    scf.for %scan3A_64 = %scan3A_42 to %scan3A_44 step %scan3A_45  : i32 {
      %mul3A_65 = arith.constant 2 : i32
      %mul3A_66 = arith.muli %mul3A_65, %scan3A_64 : i32
      %add3A_67 = arith.constant 0 : i32
      %add3A_68 = arith.addi %mul3A_66, %add3A_67 : i32
      %dma_wait3A_69 = arith.constant 0 : i32
      %dma_wait3A_70 = arith.constant 0 : i32
      %dma_wait3A_71 = tpu.memref_slice %arg8[%dma_wait3A_69, %dma_wait3A_70] : memref<200x64xf32, #tpu.memory_space<vmem>> -> memref<128x64xf32, #tpu.memory_space<vmem>>
      %dma_wait3A_72 = arith.constant 0 : i32
      %dma_wait3A_73 = tpu.memref_slice %arg6[%add3A_68, %dma_wait3A_72] : memref<128x200xi32, #tpu.memory_space<vmem>> -> memref<1x128xi32, #tpu.memory_space<vmem>>
      %dma_wait3A_74 = tpu.memref_squeeze %dma_wait3A_73 : memref<1x128xi32, #tpu.memory_space<vmem>> -> memref<128xi32, #tpu.memory_space<vmem>>
      %dma_wait3A_75 = arith.constant 0 : i32
      %dma_wait3A_76 = arith.constant 0 : i32
      %dma_wait3A_77 = tpu.memref_slice %arg4[%dma_wait3A_75, %dma_wait3A_76] : memref<1000000x64xf32, #tpu.memory_space<hbm>> -> memref<1000000x64xf32, #tpu.memory_space<hbm>>
      tpu.wait_indirect_dma semaphore(%arg12 : memref<!tpu.dma_semaphore, #tpu.memory_space<semaphore_mem>>) src(%dma_wait3A_77 : memref<1000000x64xf32, #tpu.memory_space<hbm>>) dst(%dma_wait3A_71 : memref<128x64xf32, #tpu.memory_space<vmem>>)
      %dma_wait3A_78 = arith.constant 128 : i32
      %dma_wait3A_79 = arith.constant 0 : i32
      %dma_wait3A_80 = tpu.memref_slice %arg8[%dma_wait3A_78, %dma_wait3A_79] : memref<200x64xf32, #tpu.memory_space<vmem>> -> memref<72x64xf32, #tpu.memory_space<vmem>>
      %dma_wait3A_81 = arith.constant 128 : i32
      %dma_wait3A_82 = tpu.memref_slice %arg6[%add3A_68, %dma_wait3A_81] : memref<128x200xi32, #tpu.memory_space<vmem>> -> memref<1x72xi32, #tpu.memory_space<vmem>>
      %dma_wait3A_83 = tpu.memref_squeeze %dma_wait3A_82 : memref<1x72xi32, #tpu.memory_space<vmem>> -> memref<72xi32, #tpu.memory_space<vmem>>
      %dma_wait3A_84 = arith.constant 0 : i32
      %dma_wait3A_85 = arith.constant 0 : i32
      %dma_wait3A_86 = tpu.memref_slice %arg4[%dma_wait3A_84, %dma_wait3A_85] : memref<1000000x64xf32, #tpu.memory_space<hbm>> -> memref<1000000x64xf32, #tpu.memory_space<hbm>>
      tpu.wait_indirect_dma semaphore(%arg12 : memref<!tpu.dma_semaphore, #tpu.memory_space<semaphore_mem>>) src(%dma_wait3A_86 : memref<1000000x64xf32, #tpu.memory_space<hbm>>) dst(%dma_wait3A_80 : memref<72x64xf32, #tpu.memory_space<vmem>>)
      %ge3A = arith.constant 1 : i32
      %ge3A_87 = arith.cmpi sge, %scan3A_64, %ge3A : i32
      %convert_element_type3A = arith.extui %ge3A_87 : i1 to i32
      %cond3A = arith.constant 0 : i32
      %cond3A_88 = arith.cmpi ne, %convert_element_type3A, %cond3A : i32
      scf.if %cond3A_88 {
        %dma_wait3A_152 = arith.constant 0 : i32
        %dma_wait3A_153 = arith.constant 0 : i32
        %dma_wait3A_154 = arith.constant 0 : i32
        %dma_wait3A_155 = tpu.memref_slice %arg5[%dma_wait3A_152, %dma_wait3A_153, %dma_wait3A_154] : memref<4096x200x64xf32, #tpu.memory_space<hbm>> -> memref<1x200x64xf32, #tpu.memory_space<hbm>>
        %dma_wait3A_156 = tpu.memref_squeeze %dma_wait3A_155 : memref<1x200x64xf32, #tpu.memory_space<hbm>> -> memref<200x64xf32, #tpu.memory_space<hbm>>
        %dma_wait3A_157 = arith.constant 0 : i32
        %dma_wait3A_158 = arith.constant 0 : i32
        %dma_wait3A_159 = tpu.memref_slice %arg5[%dma_wait3A_152, %dma_wait3A_157, %dma_wait3A_158] : memref<4096x200x64xf32, #tpu.memory_space<hbm>> -> memref<1x200x64xf32, #tpu.memory_space<hbm>>
        %dma_wait3A_160 = tpu.memref_squeeze %dma_wait3A_159 : memref<1x200x64xf32, #tpu.memory_space<hbm>> -> memref<200x64xf32, #tpu.memory_space<hbm>>
        tpu.wait_dma2 semaphore(%arg14 : memref<!tpu.dma_semaphore, #tpu.memory_space<semaphore_mem>>) src(%arg10 : memref<200x64xf32, #tpu.memory_space<vmem>>) dst(%dma_wait3A_160 : memref<200x64xf32, #tpu.memory_space<hbm>>)
      } else {
      }
      %parallel_loop3A = arith.constant 0 : i32
      %parallel_loop3A_89 = arith.constant 200 : i32
      %parallel_loop3A_90 = arith.constant 1 : i32
      scf.for %parallel_loop3A_152 = %parallel_loop3A to %parallel_loop3A_89 step %parallel_loop3A_90  : i32 {
        %parallel_loop3A_153 = arith.index_cast %parallel_loop3A_152 : i32 to index
        %parallel_loop3A_154 = arith.constant 0 : index
        %parallel_loop3A_155 = tpu.vector_load %arg8[%parallel_loop3A_153, %parallel_loop3A_154] {strides = array<i32>} : memref<200x64xf32, #tpu.memory_space<vmem>>, vector<1x16xf32>,
        %parallel_loop3A_156 = vector.shape_cast %parallel_loop3A_155 : vector<1x16xf32> to vector<16xf32>
        %parallel_loop3A_157 = arith.index_cast %parallel_loop3A_152 : i32 to index
        %parallel_loop3A_158 = arith.constant 0 : index
        %parallel_loop3A_159 = tpu.vector_load %arg7[%parallel_loop3A_157, %parallel_loop3A_158] {strides = array<i32>} : memref<200x64xf32, #tpu.memory_space<vmem>>, vector<1x16xf32>,
        %parallel_loop3A_160 = vector.shape_cast %parallel_loop3A_159 : vector<1x16xf32> to vector<16xf32>
        %parallel_loop3A_161 = arith.addf %parallel_loop3A_156, %parallel_loop3A_160 : vector<16xf32>
        %parallel_loop3A_162 = arith.index_cast %parallel_loop3A_152 : i32 to index
        %parallel_loop3A_163 = arith.constant 0 : index
        %parallel_loop3A_164 = tpu.vector_load %arg10[%parallel_loop3A_162, %parallel_loop3A_163] {strides = array<i32>} : memref<200x64xf32, #tpu.memory_space<vmem>>, vector<1x16xf32>,
        %parallel_loop3A_165 = vector.shape_cast %parallel_loop3A_164 : vector<1x16xf32> to vector<16xf32>
        %parallel_loop3A_166 = vector.shape_cast %parallel_loop3A_161 : vector<16xf32> to vector<1x16xf32>
        tpu.vector_store %arg10[%parallel_loop3A_162, %parallel_loop3A_163], %parallel_loop3A_166 {strides = array<i32>} : memref<200x64xf32, #tpu.memory_space<vmem>>, vector<1x16xf32>,
        %parallel_loop3A_167 = arith.index_cast %parallel_loop3A_152 : i32 to index
        %parallel_loop3A_168 = arith.constant 16 : index
        %parallel_loop3A_169 = tpu.vector_load %arg8[%parallel_loop3A_167, %parallel_loop3A_168] {strides = array<i32>} : memref<200x64xf32, #tpu.memory_space<vmem>>, vector<1x16xf32>,
        %parallel_loop3A_170 = vector.shape_cast %parallel_loop3A_169 : vector<1x16xf32> to vector<16xf32>
        %parallel_loop3A_171 = arith.index_cast %parallel_loop3A_152 : i32 to index
        %parallel_loop3A_172 = arith.constant 16 : index
        %parallel_loop3A_173 = tpu.vector_load %arg7[%parallel_loop3A_171, %parallel_loop3A_172] {strides = array<i32>} : memref<200x64xf32, #tpu.memory_space<vmem>>, vector<1x16xf32>,
        %parallel_loop3A_174 = vector.shape_cast %parallel_loop3A_173 : vector<1x16xf32> to vector<16xf32>
        %parallel_loop3A_175 = arith.addf %parallel_loop3A_170, %parallel_loop3A_174 : vector<16xf32>
        %parallel_loop3A_176 = arith.index_cast %parallel_loop3A_152 : i32 to index
        %parallel_loop3A_177 = arith.constant 16 : index
        %parallel_loop3A_178 = tpu.vector_load %arg10[%parallel_loop3A_176, %parallel_loop3A_177] {strides = array<i32>} : memref<200x64xf32, #tpu.memory_space<vmem>>, vector<1x16xf32>,
        %parallel_loop3A_179 = vector.shape_cast %parallel_loop3A_178 : vector<1x16xf32> to vector<16xf32>
        %parallel_loop3A_180 = vector.shape_cast %parallel_loop3A_175 : vector<16xf32> to vector<1x16xf32>
        tpu.vector_store %arg10[%parallel_loop3A_176, %parallel_loop3A_177], %parallel_loop3A_180 {strides = array<i32>} : memref<200x64xf32, #tpu.memory_space<vmem>>, vector<1x16xf32>,
        %parallel_loop3A_181 = arith.index_cast %parallel_loop3A_152 : i32 to index
        %parallel_loop3A_182 = arith.constant 32 : index
        %parallel_loop3A_183 = tpu.vector_load %arg8[%parallel_loop3A_181, %parallel_loop3A_182] {strides = array<i32>} : memref<200x64xf32, #tpu.memory_space<vmem>>, vector<1x16xf32>,
        %parallel_loop3A_184 = vector.shape_cast %parallel_loop3A_183 : vector<1x16xf32> to vector<16xf32>
        %parallel_loop3A_185 = arith.index_cast %parallel_loop3A_152 : i32 to index
        %parallel_loop3A_186 = arith.constant 32 : index
        %parallel_loop3A_187 = tpu.vector_load %arg7[%parallel_loop3A_185, %parallel_loop3A_186] {strides = array<i32>} : memref<200x64xf32, #tpu.memory_space<vmem>>, vector<1x16xf32>,
        %parallel_loop3A_188 = vector.shape_cast %parallel_loop3A_187 : vector<1x16xf32> to vector<16xf32>
        %parallel_loop3A_189 = arith.addf %parallel_loop3A_184, %parallel_loop3A_188 : vector<16xf32>
        %parallel_loop3A_190 = arith.index_cast %parallel_loop3A_152 : i32 to index
        %parallel_loop3A_191 = arith.constant 32 : index
        %parallel_loop3A_192 = tpu.vector_load %arg10[%parallel_loop3A_190, %parallel_loop3A_191] {strides = array<i32>} : memref<200x64xf32, #tpu.memory_space<vmem>>, vector<1x16xf32>,
        %parallel_loop3A_193 = vector.shape_cast %parallel_loop3A_192 : vector<1x16xf32> to vector<16xf32>
        %parallel_loop3A_194 = vector.shape_cast %parallel_loop3A_189 : vector<16xf32> to vector<1x16xf32>
        tpu.vector_store %arg10[%parallel_loop3A_190, %parallel_loop3A_191], %parallel_loop3A_194 {strides = array<i32>} : memref<200x64xf32, #tpu.memory_space<vmem>>, vector<1x16xf32>,
        %parallel_loop3A_195 = arith.index_cast %parallel_loop3A_152 : i32 to index
        %parallel_loop3A_196 = arith.constant 48 : index
        %parallel_loop3A_197 = tpu.vector_load %arg8[%parallel_loop3A_195, %parallel_loop3A_196] {strides = array<i32>} : memref<200x64xf32, #tpu.memory_space<vmem>>, vector<1x16xf32>,
        %parallel_loop3A_198 = vector.shape_cast %parallel_loop3A_197 : vector<1x16xf32> to vector<16xf32>
        %parallel_loop3A_199 = arith.index_cast %parallel_loop3A_152 : i32 to index
        %parallel_loop3A_200 = arith.constant 48 : index
        %parallel_loop3A_201 = tpu.vector_load %arg7[%parallel_loop3A_199, %parallel_loop3A_200] {strides = array<i32>} : memref<200x64xf32, #tpu.memory_space<vmem>>, vector<1x16xf32>,
        %parallel_loop3A_202 = vector.shape_cast %parallel_loop3A_201 : vector<1x16xf32> to vector<16xf32>
        %parallel_loop3A_203 = arith.addf %parallel_loop3A_198, %parallel_loop3A_202 : vector<16xf32>
        %parallel_loop3A_204 = arith.index_cast %parallel_loop3A_152 : i32 to index
        %parallel_loop3A_205 = arith.constant 48 : index
        %parallel_loop3A_206 = tpu.vector_load %arg10[%parallel_loop3A_204, %parallel_loop3A_205] {strides = array<i32>} : memref<200x64xf32, #tpu.memory_space<vmem>>, vector<1x16xf32>,
        %parallel_loop3A_207 = vector.shape_cast %parallel_loop3A_206 : vector<1x16xf32> to vector<16xf32>
        %parallel_loop3A_208 = vector.shape_cast %parallel_loop3A_203 : vector<16xf32> to vector<1x16xf32>
        tpu.vector_store %arg10[%parallel_loop3A_204, %parallel_loop3A_205], %parallel_loop3A_208 {strides = array<i32>} : memref<200x64xf32, #tpu.memory_space<vmem>>, vector<1x16xf32>,
      } {sc.loop_unroll_factor = 8 : i64, sc.parallel_access}
      %add3A_91 = arith.addi %mul3A_2, %add3A_68 : i32
      %dma_start3A_92 = arith.constant 0 : i32
      %dma_start3A_93 = arith.constant 0 : i32
      %dma_start3A_94 = tpu.memref_slice %arg5[%add3A_91, %dma_start3A_92, %dma_start3A_93] : memref<4096x200x64xf32, #tpu.memory_space<hbm>> -> memref<1x200x64xf32, #tpu.memory_space<hbm>>
      %dma_start3A_95 = tpu.memref_squeeze %dma_start3A_94 : memref<1x200x64xf32, #tpu.memory_space<hbm>> -> memref<200x64xf32, #tpu.memory_space<hbm>>
      %dma_start3A_96 = arith.constant 0 : i32
      %dma_start3A_97 = arith.constant 0 : i32
      %dma_start3A_98 = tpu.memref_slice %arg5[%add3A_91, %dma_start3A_96, %dma_start3A_97] : memref<4096x200x64xf32, #tpu.memory_space<hbm>> -> memref<1x200x64xf32, #tpu.memory_space<hbm>>
      %dma_start3A_99 = tpu.memref_squeeze %dma_start3A_98 : memref<1x200x64xf32, #tpu.memory_space<hbm>> -> memref<200x64xf32, #tpu.memory_space<hbm>>
      tpu.enqueue_dma source(%arg10 : memref<200x64xf32, #tpu.memory_space<vmem>>) target(%dma_start3A_99 : memref<200x64xf32, #tpu.memory_space<hbm>>) target_semaphore(%arg14 : memref<!tpu.dma_semaphore, #tpu.memory_space<semaphore_mem>>)
      %add3A_100 = arith.constant 2 : i32
      %add3A_101 = arith.addi %add3A_68, %add3A_100 : i32
      %lt3A = arith.constant 128 : i32
      %lt3A_102 = arith.cmpi slt, %add3A_101, %lt3A : i32
      %convert_element_type3A_103 = arith.extui %lt3A_102 : i1 to i32
      %cond3A_104 = arith.constant 0 : i32
      %cond3A_105 = arith.cmpi ne, %convert_element_type3A_103, %cond3A_104 : i32
      scf.if %cond3A_105 {
        %add3A_152 = arith.constant 2 : i32
        %add3A_153 = arith.addi %add3A_68, %add3A_152 : i32
        %dma_start3A_154 = arith.constant 0 : i32
        %dma_start3A_155 = arith.constant 0 : i32
        %dma_start3A_156 = tpu.memref_slice %arg8[%dma_start3A_154, %dma_start3A_155] : memref<200x64xf32, #tpu.memory_space<vmem>> -> memref<128x64xf32, #tpu.memory_space<vmem>>
        %dma_start3A_157 = arith.constant 0 : i32
        %dma_start3A_158 = tpu.memref_slice %arg6[%add3A_153, %dma_start3A_157] : memref<128x200xi32, #tpu.memory_space<vmem>> -> memref<1x128xi32, #tpu.memory_space<vmem>>
        %dma_start3A_159 = tpu.memref_squeeze %dma_start3A_158 : memref<1x128xi32, #tpu.memory_space<vmem>> -> memref<128xi32, #tpu.memory_space<vmem>>
        %dma_start3A_160 = arith.constant 0 : i32
        %dma_start3A_161 = arith.constant 0 : i32
        %dma_start3A_162 = tpu.memref_slice %arg4[%dma_start3A_160, %dma_start3A_161] : memref<1000000x64xf32, #tpu.memory_space<hbm>> -> memref<1000000x64xf32, #tpu.memory_space<hbm>>
        tpu.enqueue_indirect_dma source(%dma_start3A_162 : memref<1000000x64xf32, #tpu.memory_space<hbm>>) target(%dma_start3A_156 : memref<128x64xf32, #tpu.memory_space<vmem>>) offsets(%dma_start3A_159 : memref<128xi32, #tpu.memory_space<vmem>>) semaphore(%arg12 : memref<!tpu.dma_semaphore, #tpu.memory_space<semaphore_mem>>)
        %dma_start3A_163 = arith.constant 128 : i32
        %dma_start3A_164 = arith.constant 0 : i32
        %dma_start3A_165 = tpu.memref_slice %arg8[%dma_start3A_163, %dma_start3A_164] : memref<200x64xf32, #tpu.memory_space<vmem>> -> memref<72x64xf32, #tpu.memory_space<vmem>>
        %dma_start3A_166 = arith.constant 128 : i32
        %dma_start3A_167 = tpu.memref_slice %arg6[%add3A_153, %dma_start3A_166] : memref<128x200xi32, #tpu.memory_space<vmem>> -> memref<1x72xi32, #tpu.memory_space<vmem>>
        %dma_start3A_168 = tpu.memref_squeeze %dma_start3A_167 : memref<1x72xi32, #tpu.memory_space<vmem>> -> memref<72xi32, #tpu.memory_space<vmem>>
        %dma_start3A_169 = arith.constant 0 : i32
        %dma_start3A_170 = arith.constant 0 : i32
        %dma_start3A_171 = tpu.memref_slice %arg4[%dma_start3A_169, %dma_start3A_170] : memref<1000000x64xf32, #tpu.memory_space<hbm>> -> memref<1000000x64xf32, #tpu.memory_space<hbm>>
        tpu.enqueue_indirect_dma source(%dma_start3A_171 : memref<1000000x64xf32, #tpu.memory_space<hbm>>) target(%dma_start3A_165 : memref<72x64xf32, #tpu.memory_space<vmem>>) offsets(%dma_start3A_168 : memref<72xi32, #tpu.memory_space<vmem>>) semaphore(%arg12 : memref<!tpu.dma_semaphore, #tpu.memory_space<semaphore_mem>>)
      } else {
      }
      %mul3A_106 = arith.constant 2 : i32
      %mul3A_107 = arith.muli %mul3A_106, %scan3A_64 : i32
      %add3A_108 = arith.constant 1 : i32
      %add3A_109 = arith.addi %mul3A_107, %add3A_108 : i32
      %dma_wait3A_110 = arith.constant 0 : i32
      %dma_wait3A_111 = arith.constant 0 : i32
      %dma_wait3A_112 = tpu.memref_slice %arg9[%dma_wait3A_110, %dma_wait3A_111] : memref<200x64xf32, #tpu.memory_space<vmem>> -> memref<128x64xf32, #tpu.memory_space<vmem>>
      %dma_wait3A_113 = arith.constant 0 : i32
      %dma_wait3A_114 = tpu.memref_slice %arg6[%add3A_109, %dma_wait3A_113] : memref<128x200xi32, #tpu.memory_space<vmem>> -> memref<1x128xi32, #tpu.memory_space<vmem>>
      %dma_wait3A_115 = tpu.memref_squeeze %dma_wait3A_114 : memref<1x128xi32, #tpu.memory_space<vmem>> -> memref<128xi32, #tpu.memory_space<vmem>>
      %dma_wait3A_116 = arith.constant 0 : i32
      %dma_wait3A_117 = arith.constant 0 : i32
      %dma_wait3A_118 = tpu.memref_slice %arg4[%dma_wait3A_116, %dma_wait3A_117] : memref<1000000x64xf32, #tpu.memory_space<hbm>> -> memref<1000000x64xf32, #tpu.memory_space<hbm>>
      tpu.wait_indirect_dma semaphore(%arg13 : memref<!tpu.dma_semaphore, #tpu.memory_space<semaphore_mem>>) src(%dma_wait3A_118 : memref<1000000x64xf32, #tpu.memory_space<hbm>>) dst(%dma_wait3A_112 : memref<128x64xf32, #tpu.memory_space<vmem>>)
      %dma_wait3A_119 = arith.constant 128 : i32
      %dma_wait3A_120 = arith.constant 0 : i32
      %dma_wait3A_121 = tpu.memref_slice %arg9[%dma_wait3A_119, %dma_wait3A_120] : memref<200x64xf32, #tpu.memory_space<vmem>> -> memref<72x64xf32, #tpu.memory_space<vmem>>
      %dma_wait3A_122 = arith.constant 128 : i32
      %dma_wait3A_123 = tpu.memref_slice %arg6[%add3A_109, %dma_wait3A_122] : memref<128x200xi32, #tpu.memory_space<vmem>> -> memref<1x72xi32, #tpu.memory_space<vmem>>
      %dma_wait3A_124 = tpu.memref_squeeze %dma_wait3A_123 : memref<1x72xi32, #tpu.memory_space<vmem>> -> memref<72xi32, #tpu.memory_space<vmem>>
      %dma_wait3A_125 = arith.constant 0 : i32
      %dma_wait3A_126 = arith.constant 0 : i32
      %dma_wait3A_127 = tpu.memref_slice %arg4[%dma_wait3A_125, %dma_wait3A_126] : memref<1000000x64xf32, #tpu.memory_space<hbm>> -> memref<1000000x64xf32, #tpu.memory_space<hbm>>
      tpu.wait_indirect_dma semaphore(%arg13 : memref<!tpu.dma_semaphore, #tpu.memory_space<semaphore_mem>>) src(%dma_wait3A_127 : memref<1000000x64xf32, #tpu.memory_space<hbm>>) dst(%dma_wait3A_121 : memref<72x64xf32, #tpu.memory_space<vmem>>)
      %ge3A_128 = arith.constant 1 : i32
      %ge3A_129 = arith.cmpi sge, %scan3A_64, %ge3A_128 : i32
      %convert_element_type3A_130 = arith.extui %ge3A_129 : i1 to i32
      %cond3A_131 = arith.constant 0 : i32
      %cond3A_132 = arith.cmpi ne, %convert_element_type3A_130, %cond3A_131 : i32
      scf.if %cond3A_132 {
        %dma_wait3A_152 = arith.constant 0 : i32
        %dma_wait3A_153 = arith.constant 0 : i32
        %dma_wait3A_154 = arith.constant 0 : i32
        %dma_wait3A_155 = tpu.memref_slice %arg5[%dma_wait3A_152, %dma_wait3A_153, %dma_wait3A_154] : memref<4096x200x64xf32, #tpu.memory_space<hbm>> -> memref<1x200x64xf32, #tpu.memory_space<hbm>>
        %dma_wait3A_156 = tpu.memref_squeeze %dma_wait3A_155 : memref<1x200x64xf32, #tpu.memory_space<hbm>> -> memref<200x64xf32, #tpu.memory_space<hbm>>
        %dma_wait3A_157 = arith.constant 0 : i32
        %dma_wait3A_158 = arith.constant 0 : i32
        %dma_wait3A_159 = tpu.memref_slice %arg5[%dma_wait3A_152, %dma_wait3A_157, %dma_wait3A_158] : memref<4096x200x64xf32, #tpu.memory_space<hbm>> -> memref<1x200x64xf32, #tpu.memory_space<hbm>>
        %dma_wait3A_160 = tpu.memref_squeeze %dma_wait3A_159 : memref<1x200x64xf32, #tpu.memory_space<hbm>> -> memref<200x64xf32, #tpu.memory_space<hbm>>
        tpu.wait_dma2 semaphore(%arg15 : memref<!tpu.dma_semaphore, #tpu.memory_space<semaphore_mem>>) src(%arg11 : memref<200x64xf32, #tpu.memory_space<vmem>>) dst(%dma_wait3A_160 : memref<200x64xf32, #tpu.memory_space<hbm>>)
      } else {
      }
      %parallel_loop3A_133 = arith.constant 0 : i32
      %parallel_loop3A_134 = arith.constant 200 : i32
      %parallel_loop3A_135 = arith.constant 1 : i32
      scf.for %parallel_loop3A_152 = %parallel_loop3A_133 to %parallel_loop3A_134 step %parallel_loop3A_135  : i32 {
        %parallel_loop3A_153 = arith.index_cast %parallel_loop3A_152 : i32 to index
        %parallel_loop3A_154 = arith.constant 0 : index
        %parallel_loop3A_155 = tpu.vector_load %arg9[%parallel_loop3A_153, %parallel_loop3A_154] {strides = array<i32>} : memref<200x64xf32, #tpu.memory_space<vmem>>, vector<1x16xf32>,
        %parallel_loop3A_156 = vector.shape_cast %parallel_loop3A_155 : vector<1x16xf32> to vector<16xf32>
        %parallel_loop3A_157 = arith.index_cast %parallel_loop3A_152 : i32 to index
        %parallel_loop3A_158 = arith.constant 0 : index
        %parallel_loop3A_159 = tpu.vector_load %arg7[%parallel_loop3A_157, %parallel_loop3A_158] {strides = array<i32>} : memref<200x64xf32, #tpu.memory_space<vmem>>, vector<1x16xf32>,
        %parallel_loop3A_160 = vector.shape_cast %parallel_loop3A_159 : vector<1x16xf32> to vector<16xf32>
        %parallel_loop3A_161 = arith.addf %parallel_loop3A_156, %parallel_loop3A_160 : vector<16xf32>
        %parallel_loop3A_162 = arith.index_cast %parallel_loop3A_152 : i32 to index
        %parallel_loop3A_163 = arith.constant 0 : index
        %parallel_loop3A_164 = tpu.vector_load %arg11[%parallel_loop3A_162, %parallel_loop3A_163] {strides = array<i32>} : memref<200x64xf32, #tpu.memory_space<vmem>>, vector<1x16xf32>,
        %parallel_loop3A_165 = vector.shape_cast %parallel_loop3A_164 : vector<1x16xf32> to vector<16xf32>
        %parallel_loop3A_166 = vector.shape_cast %parallel_loop3A_161 : vector<16xf32> to vector<1x16xf32>
        tpu.vector_store %arg11[%parallel_loop3A_162, %parallel_loop3A_163], %parallel_loop3A_166 {strides = array<i32>} : memref<200x64xf32, #tpu.memory_space<vmem>>, vector<1x16xf32>,
        %parallel_loop3A_167 = arith.index_cast %parallel_loop3A_152 : i32 to index
        %parallel_loop3A_168 = arith.constant 16 : index
        %parallel_loop3A_169 = tpu.vector_load %arg9[%parallel_loop3A_167, %parallel_loop3A_168] {strides = array<i32>} : memref<200x64xf32, #tpu.memory_space<vmem>>, vector<1x16xf32>,
        %parallel_loop3A_170 = vector.shape_cast %parallel_loop3A_169 : vector<1x16xf32> to vector<16xf32>
        %parallel_loop3A_171 = arith.index_cast %parallel_loop3A_152 : i32 to index
        %parallel_loop3A_172 = arith.constant 16 : index
        %parallel_loop3A_173 = tpu.vector_load %arg7[%parallel_loop3A_171, %parallel_loop3A_172] {strides = array<i32>} : memref<200x64xf32, #tpu.memory_space<vmem>>, vector<1x16xf32>,
        %parallel_loop3A_174 = vector.shape_cast %parallel_loop3A_173 : vector<1x16xf32> to vector<16xf32>
        %parallel_loop3A_175 = arith.addf %parallel_loop3A_170, %parallel_loop3A_174 : vector<16xf32>
        %parallel_loop3A_176 = arith.index_cast %parallel_loop3A_152 : i32 to index
        %parallel_loop3A_177 = arith.constant 16 : index
        %parallel_loop3A_178 = tpu.vector_load %arg11[%parallel_loop3A_176, %parallel_loop3A_177] {strides = array<i32>} : memref<200x64xf32, #tpu.memory_space<vmem>>, vector<1x16xf32>,
        %parallel_loop3A_179 = vector.shape_cast %parallel_loop3A_178 : vector<1x16xf32> to vector<16xf32>
        %parallel_loop3A_180 = vector.shape_cast %parallel_loop3A_175 : vector<16xf32> to vector<1x16xf32>
        tpu.vector_store %arg11[%parallel_loop3A_176, %parallel_loop3A_177], %parallel_loop3A_180 {strides = array<i32>} : memref<200x64xf32, #tpu.memory_space<vmem>>, vector<1x16xf32>,
        %parallel_loop3A_181 = arith.index_cast %parallel_loop3A_152 : i32 to index
        %parallel_loop3A_182 = arith.constant 32 : index
        %parallel_loop3A_183 = tpu.vector_load %arg9[%parallel_loop3A_181, %parallel_loop3A_182] {strides = array<i32>} : memref<200x64xf32, #tpu.memory_space<vmem>>, vector<1x16xf32>,
        %parallel_loop3A_184 = vector.shape_cast %parallel_loop3A_183 : vector<1x16xf32> to vector<16xf32>
        %parallel_loop3A_185 = arith.index_cast %parallel_loop3A_152 : i32 to index
        %parallel_loop3A_186 = arith.constant 32 : index
        %parallel_loop3A_187 = tpu.vector_load %arg7[%parallel_loop3A_185, %parallel_loop3A_186] {strides = array<i32>} : memref<200x64xf32, #tpu.memory_space<vmem>>, vector<1x16xf32>,
        %parallel_loop3A_188 = vector.shape_cast %parallel_loop3A_187 : vector<1x16xf32> to vector<16xf32>
        %parallel_loop3A_189 = arith.addf %parallel_loop3A_184, %parallel_loop3A_188 : vector<16xf32>
        %parallel_loop3A_190 = arith.index_cast %parallel_loop3A_152 : i32 to index
        %parallel_loop3A_191 = arith.constant 32 : index
        %parallel_loop3A_192 = tpu.vector_load %arg11[%parallel_loop3A_190, %parallel_loop3A_191] {strides = array<i32>} : memref<200x64xf32, #tpu.memory_space<vmem>>, vector<1x16xf32>,
        %parallel_loop3A_193 = vector.shape_cast %parallel_loop3A_192 : vector<1x16xf32> to vector<16xf32>
        %parallel_loop3A_194 = vector.shape_cast %parallel_loop3A_189 : vector<16xf32> to vector<1x16xf32>
        tpu.vector_store %arg11[%parallel_loop3A_190, %parallel_loop3A_191], %parallel_loop3A_194 {strides = array<i32>} : memref<200x64xf32, #tpu.memory_space<vmem>>, vector<1x16xf32>,
        %parallel_loop3A_195 = arith.index_cast %parallel_loop3A_152 : i32 to index
        %parallel_loop3A_196 = arith.constant 48 : index
        %parallel_loop3A_197 = tpu.vector_load %arg9[%parallel_loop3A_195, %parallel_loop3A_196] {strides = array<i32>} : memref<200x64xf32, #tpu.memory_space<vmem>>, vector<1x16xf32>,
        %parallel_loop3A_198 = vector.shape_cast %parallel_loop3A_197 : vector<1x16xf32> to vector<16xf32>
        %parallel_loop3A_199 = arith.index_cast %parallel_loop3A_152 : i32 to index
        %parallel_loop3A_200 = arith.constant 48 : index
        %parallel_loop3A_201 = tpu.vector_load %arg7[%parallel_loop3A_199, %parallel_loop3A_200] {strides = array<i32>} : memref<200x64xf32, #tpu.memory_space<vmem>>, vector<1x16xf32>,
        %parallel_loop3A_202 = vector.shape_cast %parallel_loop3A_201 : vector<1x16xf32> to vector<16xf32>
        %parallel_loop3A_203 = arith.addf %parallel_loop3A_198, %parallel_loop3A_202 : vector<16xf32>
        %parallel_loop3A_204 = arith.index_cast %parallel_loop3A_152 : i32 to index
        %parallel_loop3A_205 = arith.constant 48 : index
        %parallel_loop3A_206 = tpu.vector_load %arg11[%parallel_loop3A_204, %parallel_loop3A_205] {strides = array<i32>} : memref<200x64xf32, #tpu.memory_space<vmem>>, vector<1x16xf32>,
        %parallel_loop3A_207 = vector.shape_cast %parallel_loop3A_206 : vector<1x16xf32> to vector<16xf32>
        %parallel_loop3A_208 = vector.shape_cast %parallel_loop3A_203 : vector<16xf32> to vector<1x16xf32>
        tpu.vector_store %arg11[%parallel_loop3A_204, %parallel_loop3A_205], %parallel_loop3A_208 {strides = array<i32>} : memref<200x64xf32, #tpu.memory_space<vmem>>, vector<1x16xf32>,
      } {sc.loop_unroll_factor = 8 : i64, sc.parallel_access}
      %add3A_136 = arith.addi %mul3A_2, %add3A_109 : i32
      %dma_start3A_137 = arith.constant 0 : i32
      %dma_start3A_138 = arith.constant 0 : i32
      %dma_start3A_139 = tpu.memref_slice %arg5[%add3A_136, %dma_start3A_137, %dma_start3A_138] : memref<4096x200x64xf32, #tpu.memory_space<hbm>> -> memref<1x200x64xf32, #tpu.memory_space<hbm>>
      %dma_start3A_140 = tpu.memref_squeeze %dma_start3A_139 : memref<1x200x64xf32, #tpu.memory_space<hbm>> -> memref<200x64xf32, #tpu.memory_space<hbm>>
      %dma_start3A_141 = arith.constant 0 : i32
      %dma_start3A_142 = arith.constant 0 : i32
      %dma_start3A_143 = tpu.memref_slice %arg5[%add3A_136, %dma_start3A_141, %dma_start3A_142] : memref<4096x200x64xf32, #tpu.memory_space<hbm>> -> memref<1x200x64xf32, #tpu.memory_space<hbm>>
      %dma_start3A_144 = tpu.memref_squeeze %dma_start3A_143 : memref<1x200x64xf32, #tpu.memory_space<hbm>> -> memref<200x64xf32, #tpu.memory_space<hbm>>
      tpu.enqueue_dma source(%arg11 : memref<200x64xf32, #tpu.memory_space<vmem>>) target(%dma_start3A_144 : memref<200x64xf32, #tpu.memory_space<hbm>>) target_semaphore(%arg15 : memref<!tpu.dma_semaphore, #tpu.memory_space<semaphore_mem>>)
      %add3A_145 = arith.constant 2 : i32
      %add3A_146 = arith.addi %add3A_109, %add3A_145 : i32
      %lt3A_147 = arith.constant 128 : i32
      %lt3A_148 = arith.cmpi slt, %add3A_146, %lt3A_147 : i32
      %convert_element_type3A_149 = arith.extui %lt3A_148 : i1 to i32
      %cond3A_150 = arith.constant 0 : i32
      %cond3A_151 = arith.cmpi ne, %convert_element_type3A_149, %cond3A_150 : i32
      scf.if %cond3A_151 {
        %add3A_152 = arith.constant 2 : i32
        %add3A_153 = arith.addi %add3A_109, %add3A_152 : i32
        %dma_start3A_154 = arith.constant 0 : i32
        %dma_start3A_155 = arith.constant 0 : i32
        %dma_start3A_156 = tpu.memref_slice %arg9[%dma_start3A_154, %dma_start3A_155] : memref<200x64xf32, #tpu.memory_space<vmem>> -> memref<128x64xf32, #tpu.memory_space<vmem>>
        %dma_start3A_157 = arith.constant 0 : i32
        %dma_start3A_158 = tpu.memref_slice %arg6[%add3A_153, %dma_start3A_157] : memref<128x200xi32, #tpu.memory_space<vmem>> -> memref<1x128xi32, #tpu.memory_space<vmem>>
        %dma_start3A_159 = tpu.memref_squeeze %dma_start3A_158 : memref<1x128xi32, #tpu.memory_space<vmem>> -> memref<128xi32, #tpu.memory_space<vmem>>
        %dma_start3A_160 = arith.constant 0 : i32
        %dma_start3A_161 = arith.constant 0 : i32
        %dma_start3A_162 = tpu.memref_slice %arg4[%dma_start3A_160, %dma_start3A_161] : memref<1000000x64xf32, #tpu.memory_space<hbm>> -> memref<1000000x64xf32, #tpu.memory_space<hbm>>
        tpu.enqueue_indirect_dma source(%dma_start3A_162 : memref<1000000x64xf32, #tpu.memory_space<hbm>>) target(%dma_start3A_156 : memref<128x64xf32, #tpu.memory_space<vmem>>) offsets(%dma_start3A_159 : memref<128xi32, #tpu.memory_space<vmem>>) semaphore(%arg13 : memref<!tpu.dma_semaphore, #tpu.memory_space<semaphore_mem>>)
        %dma_start3A_163 = arith.constant 128 : i32
        %dma_start3A_164 = arith.constant 0 : i32
        %dma_start3A_165 = tpu.memref_slice %arg9[%dma_start3A_163, %dma_start3A_164] : memref<200x64xf32, #tpu.memory_space<vmem>> -> memref<72x64xf32, #tpu.memory_space<vmem>>
        %dma_start3A_166 = arith.constant 128 : i32
        %dma_start3A_167 = tpu.memref_slice %arg6[%add3A_153, %dma_start3A_166] : memref<128x200xi32, #tpu.memory_space<vmem>> -> memref<1x72xi32, #tpu.memory_space<vmem>>
        %dma_start3A_168 = tpu.memref_squeeze %dma_start3A_167 : memref<1x72xi32, #tpu.memory_space<vmem>> -> memref<72xi32, #tpu.memory_space<vmem>>
        %dma_start3A_169 = arith.constant 0 : i32
        %dma_start3A_170 = arith.constant 0 : i32
        %dma_start3A_171 = tpu.memref_slice %arg4[%dma_start3A_169, %dma_start3A_170] : memref<1000000x64xf32, #tpu.memory_space<hbm>> -> memref<1000000x64xf32, #tpu.memory_space<hbm>>
        tpu.enqueue_indirect_dma source(%dma_start3A_171 : memref<1000000x64xf32, #tpu.memory_space<hbm>>) target(%dma_start3A_165 : memref<72x64xf32, #tpu.memory_space<vmem>>) offsets(%dma_start3A_168 : memref<72xi32, #tpu.memory_space<vmem>>) semaphore(%arg13 : memref<!tpu.dma_semaphore, #tpu.memory_space<semaphore_mem>>)
      } else {
      }
    }
    %scan3A_46 = arith.constant 64 : i32
    %dma_wait3A = arith.constant 0 : i32
    %dma_wait3A_47 = arith.constant 0 : i32
    %dma_wait3A_48 = arith.constant 0 : i32
    %dma_wait3A_49 = tpu.memref_slice %arg5[%dma_wait3A, %dma_wait3A_47, %dma_wait3A_48] : memref<4096x200x64xf32, #tpu.memory_space<hbm>> -> memref<1x200x64xf32, #tpu.memory_space<hbm>>
    %dma_wait3A_50 = tpu.memref_squeeze %dma_wait3A_49 : memref<1x200x64xf32, #tpu.memory_space<hbm>> -> memref<200x64xf32, #tpu.memory_space<hbm>>
    %dma_wait3A_51 = arith.constant 0 : i32
    %dma_wait3A_52 = arith.constant 0 : i32
    %dma_wait3A_53 = tpu.memref_slice %arg5[%dma_wait3A, %dma_wait3A_51, %dma_wait3A_52] : memref<4096x200x64xf32, #tpu.memory_space<hbm>> -> memref<1x200x64xf32, #tpu.memory_space<hbm>>
    %dma_wait3A_54 = tpu.memref_squeeze %dma_wait3A_53 : memref<1x200x64xf32, #tpu.memory_space<hbm>> -> memref<200x64xf32, #tpu.memory_space<hbm>>
    tpu.wait_dma2 semaphore(%arg14 : memref<!tpu.dma_semaphore, #tpu.memory_space<semaphore_mem>>) src(%arg10 : memref<200x64xf32, #tpu.memory_space<vmem>>) dst(%dma_wait3A_54 : memref<200x64xf32, #tpu.memory_space<hbm>>)
    %dma_wait3A_55 = arith.constant 0 : i32
    %dma_wait3A_56 = arith.constant 0 : i32
    %dma_wait3A_57 = arith.constant 0 : i32
    %dma_wait3A_58 = tpu.memref_slice %arg5[%dma_wait3A_55, %dma_wait3A_56, %dma_wait3A_57] : memref<4096x200x64xf32, #tpu.memory_space<hbm>> -> memref<1x200x64xf32, #tpu.memory_space<hbm>>
    %dma_wait3A_59 = tpu.memref_squeeze %dma_wait3A_58 : memref<1x200x64xf32, #tpu.memory_space<hbm>> -> memref<200x64xf32, #tpu.memory_space<hbm>>
    %dma_wait3A_60 = arith.constant 0 : i32
    %dma_wait3A_61 = arith.constant 0 : i32
    %dma_wait3A_62 = tpu.memref_slice %arg5[%dma_wait3A_55, %dma_wait3A_60, %dma_wait3A_61] : memref<4096x200x64xf32, #tpu.memory_space<hbm>> -> memref<1x200x64xf32, #tpu.memory_space<hbm>>
    %dma_wait3A_63 = tpu.memref_squeeze %dma_wait3A_62 : memref<1x200x64xf32, #tpu.memory_space<hbm>> -> memref<200x64xf32, #tpu.memory_space<hbm>>
    tpu.wait_dma2 semaphore(%arg15 : memref<!tpu.dma_semaphore, #tpu.memory_space<semaphore_mem>>) src(%arg11 : memref<200x64xf32, #tpu.memory_space<vmem>>) dst(%dma_wait3A_63 : memref<200x64xf32, #tpu.memory_space<hbm>>)
    return
  }
}

</mosaic_0001>

<sc_bundles>
// kernel: kernel.3.cloned.1.call-start
scs
__scs_entry_jumppad:
0x0: {  	(pc) =	sbr.rel $0x88, $3  }
0x1: {  	(tag) =	ssettag $0x0;
	lr =	simm.s32 $0x1  }
0x2: {  	[smem:$0x3F9E] =	sst lr;
	_ =	strace $0xD0000000  }
0x3: {  	_ = 	snop  }
0x4: {  	_ = 	snop  }
0x5: {  	_ = 	snop  }
0x6: {  	_ = 	snop  }
0x7: {  	_ = 	snop  }
__scs_overlays_trampoline_lowered:
0x8: {  	[smem:$0x3FAD] =	sst s0  }
0x9: {  	[smem:$0x3FAE] =	sst s1  }
0xa: {  	[smem:$0x3FAF] =	sst s2  }
0xb: {  	[smem:$0x3FB0] =	sst s3  }
0xc: {  	[smem:$0x3FB1] =	sst s4  }
0xd: {  	[smem:$0x3FB2] =	sst s5  }
0xe: {  	[smem:$0x3FB3] =	sst s6  }
0xf: {  	[smem:$0x3FB4] =	sst s7  }
0x10: {  	[smem:$0x3FB5] =	sst s8  }
0x11: {  	[smem:$0x3FB6] =	sst s9;
	s0 =	simm.s32 @!p0 $0x0  }
0x12: {  	s1 =	sld [smem:$0x3F9C];
	s0 =	simm.s32 @p0 $0x1  }
0x13: {  	[smem:$0x3FB7] =	sst s0;
	s0 =	simm.s32 @!p1 $0x0  }
0x14: {  	s2 =	sld [smem:$0x3F9B];
	s0 =	simm.s32 @p1 $0x1  }
0x15: {  	[smem:$0x3FB8] =	sst s0;
	s0 =	simm.s32 @!p2 $0x0  }
0x16: {  	s3 =	sld [smem:$0x3FDB];
	s0 =	simm.s32 @p2 $0x1  }
0x17: {  	s4 =	simm.s32 $0x1BF5;
	[smem:$0x3FBA] =	sst s0  }
0x18: {  	s0 =	sld [smem:$0x3F9D];
	_ =	swait.ge [sflag:s4], $0x0  }
0x19: {  	s7 =	sld [smem:$0x3F9E]  }
0x1a: {  	s8 =	sadd.s32 $0xFFFFE003, lr  }
0x1b: {  	s9 =	sadd.s32 $0xFFFFFEF7, lr;
	s5 =	simm.s32 $0xFFFFFFFF;
	p2 =	slt.u32 s8, $0xFFFFF086  }
0x1c: {  	p1 =	slt.u32 s9, $0xF7A;
	s5 =	simm.s32 @!p2 $0x0  }
0x1d: {  	s5 =	simm.s32 @p1 $0x1;
	p0 =	seq.s32 s7, s2  }
0x1e: {  	s7 =	smul.u32 @!p0 $0xF7A, s2;
	p2 =	seq.s32 @!p0 s5, $0x0  }
0x1f: {  	s9 =	smul.u32 $0xF7A, s1;
	s8 =	simm.s32 @!p0 $0x1BF5;
	p2 =	por !p2, p0  }
0x20: {  	[sflag:s8] =	ssyncset.s32 @!p0 $0xFFFFF086;
	s6 =	sadd.s32 @!p0 s3, s7;
	s7 =	simm.s32 @!p0 $0x108  }
0x21: {  	s3 =	sadd.s32 s3, s9;
	s6 =	sadd.s32 @!p0 $0x88, s6;
	s7 =	simm.s32 @p2 $0x1082  }
0x22: {  	[simem:s7], [sflag:s8] =	dma.local @!p0 [hbm:s6], $0xF7A  }
0x23: {  	s9 =	sor.u32 $0xD0000000, s2;
	s6 =	simm.s32 $0x108;
	_ =	swait.ge @!p0 [sflag:s8], $0x0  }
0x24: {  	s3 =	sadd.s32 $0x88, s3;
	s6 =	simm.s32 @!p1 $0x1082;
	[sflag:s4] =	ssyncset.s32 $0xFFFFF086  }
0x25: {  	[simem:s6], [sflag:s4] =	dma.local [hbm:s3], $0xF7A  }
0x26: {  	[smem:$0x3F9E] =	sst s1;
	(tag) =	ssettag s2;
	_ =	strace s9  }
0x27: {  	s1 =	sld [smem:$0x3FAE]  }
0x28: {  	s2 =	sld [smem:$0x3FAF]  }
0x29: {  	s4 =	sld [smem:$0x3FB1]  }
0x2a: {  	p0 =	seq.s32 s5, $0x0;
	s5 =	sld [smem:$0x3FB2]  }
0x2b: {  	s6 =	sld [smem:$0x3FB3]  }
0x2c: {  	s7 =	sld [smem:$0x3FB4]  }
0x2d: {  	s3 =	simm.s32 $0x108;
	s8 =	sld [smem:$0x3FB5]  }
0x2e: {  	s3 =	simm.s32 @!p0 $0x1082;
	s9 =	sld [smem:$0x3FB6]  }
0x2f: {  	lr =	sadd.s32 s0, s3;
	s0 =	sld [smem:$0x3FAD]  }
0x30: {  	s3 =	sld [smem:$0x3FB0]  }
0x31: {  	[smem:$0x3FB9] =	sst s10  }
0x32: {  	s10 =	sld [smem:$0x3FB7];
	_ =	sdelay $0x3  }
0x33: {  	p0 =	seq.s32 s10, $0x1;
	s10 =	sld [smem:$0x3FB9];
	_ =	sdelay $0x3  }
0x34: {  	[smem:$0x3FB9] =	sst s10  }
0x35: {  	s10 =	sld [smem:$0x3FB8];
	_ =	sdelay $0x3  }
0x36: {  	p1 =	seq.s32 s10, $0x1;
	s10 =	sld [smem:$0x3FB9];
	_ =	sdelay $0x3  }
0x37: {  	[smem:$0x3FB9] =	sst s10  }
0x38: {  	s10 =	sld [smem:$0x3FBA]  }
0x39: {  	_ = 	snop;
	(pc) =	sbr.ind lr, $3  }
0x3a: {  	_ = 	snop  }
0x3b: {  	_ = 	snop  }
0x3c: {  	p2 =	seq.s32 s10, $0x1;
	s10 =	sld [smem:$0x3FB9]  }
0x3d: {  	_ =	shalt  }
0x3e: {  	_ =	shalt  }
0x3f: {  	_ =	shalt  }
0x40: {  	_ =	shalt  }
0x41: {  	_ =	shalt  }
0x42: {  	_ =	shalt  }
0x43: {  	_ =	shalt  }
0x44: {  	_ =	shalt  }
0x45: {  	_ =	shalt  }
0x46: {  	_ =	shalt  }
0x47: {  	_ =	shalt  }
0x48: {  	_ =	shalt  }
0x49: {  	_ =	shalt  }
0x4a: {  	_ =	shalt  }
0x4b: {  	_ =	shalt  }
0x4c: {  	_ =	shalt  }
0x4d: {  	_ =	shalt  }
0x4e: {  	_ =	shalt  }
0x4f: {  	_ =	shalt  }
0x50: {  	_ =	shalt  }
0x51: {  	_ =	shalt  }
0x52: {  	_ =	shalt  }
0x53: {  	_ =	shalt  }
0x54: {  	_ =	shalt  }
0x55: {  	_ =	shalt  }
0x56: {  	_ =	shalt  }
0x57: {  	_ =	shalt  }
0x58: {  	_ =	shalt  }
0x59: {  	_ =	shalt  }
0x5a: {  	_ =	shalt  }
0x5b: {  	_ =	shalt  }
0x5c: {  	_ =	shalt  }
0x5d: {  	_ =	shalt  }
0x5e: {  	_ =	shalt  }
0x5f: {  	_ =	shalt  }
0x60: {  	_ =	shalt  }
0x61: {  	_ =	shalt  }
0x62: {  	_ =	shalt  }
0x63: {  	_ =	shalt  }
0x64: {  	_ =	shalt  }
0x65: {  	_ =	shalt  }
0x66: {  	_ =	shalt  }
0x67: {  	_ =	shalt  }
0x68: {  	_ =	shalt  }
0x69: {  	_ =	shalt  }
0x6a: {  	_ =	shalt  }
0x6b: {  	_ =	shalt  }
0x6c: {  	_ =	shalt  }
0x6d: {  	_ =	shalt  }
0x6e: {  	_ =	shalt  }
0x6f: {  	_ =	shalt  }
0x70: {  	_ =	shalt  }
0x71: {  	_ =	shalt  }
0x72: {  	_ =	shalt  }
0x73: {  	_ =	shalt  }
0x74: {  	_ =	shalt  }
0x75: {  	_ =	shalt  }
0x76: {  	_ =	shalt  }
0x77: {  	_ =	shalt  }
0x78: {  	_ =	shalt  }
0x79: {  	_ =	shalt  }
0x7a: {  	_ =	shalt  }
0x7b: {  	_ =	shalt  }
0x7c: {  	_ =	shalt  }
0x7d: {  	_ =	shalt  }
0x7e: {  	_ =	shalt  }
0x7f: {  	_ =	shalt  }
0x80: {  	_ =	shalt  }
0x81: {  	_ =	shalt  }
0x82: {  	_ =	shalt  }
0x83: {  	_ =	shalt  }
0x84: {  	_ =	shalt  }
0x85: {  	_ =	shalt  }
0x86: {  	_ =	shalt  }
0x87: {  	_ =	shalt  }
.Lfunc_end0:
.L_simem_size_0:
called_computation.1_lowered:
.L_overlay_start_0:
0x88: {  	s2 =	sld [smem:$0x3FD9]  }
0x89: {  	s3 =	sld [smem:$0x3FFE];
	_ =	sdelay $0x1  }
0x8a: {  	s1 =	srdreg.scid  }
0x8b: {  	s0 =	sand.u32 $0x1, s1  }
0x8c: {  	s17 =	sshll.u32 s0, $0xA;
	s2 =	sadd.s32 s3, s2  }
0x8d: {  	s2 =	sadd.s32 s2, s17  }
0x8e: {  	[smem:$0x3FC5] =	sst s2  }
0x8f: {  	_ = 	snop  }
0x90: {  	s2 =	sld [smem:$0x3FD0];
	(tm) =	ssettm $0x1  }
0x91: {  	s18 =	sld [smem:$0x3FFB];
	_ =	sdelay $0x3  }
0x92: {  	_ =	strace s18  }
0x93: {  	s3 =	sld [smem:$0x3FFC];
	_ =	sdelay $0x3  }
0x94: {  	_ =	strace s3  }
0x95: {  	s3 =	sld [smem:$0x3FFD];
	_ =	sdelay $0x3  }
0x96: {  	_ =	strace s3  }
0x97: {  	_ =	strace $0x8FFFFFFF  }
0x98: {  	s19 =	sld [smem:$0x3FDB];
	_ =	sdelay $0x1  }
0x99: {  	s4 =	simm.s32 $_scs_section_size  }
0x9a: {  	s5 =	simm.s32 $_size__tile_overlayer_lowered;
	s6 =	simm.s32 $_tile_overlayer_lowered  }
0x9b: {  	s22 =	simm.s32 $0x1BFF;
	s21 =	sshll.u32 s6, $0x1;
	s3 =	sadd.s32 s4, s19  }
0x9c: {  	s7 =	simm.s32 $0x0;
	s20 =	sshll.u32 s5, $0x1;
	s5 =	sadd.s32 s21, s3  }
0x9d: {  	[timem:s7], [sflag:s22] =	dma.local [hbm:s5], s20  }
0x9e: {  	_ =	swait.ge [sflag:s22], s20  }
0x9f: {  	s4 =	ssub.s32 $0x0, s20;
	[sflag:s22] =	ssyncset.done $0x0  }
0xa0: {  	[sflag:s22] =	ssyncadd.s32 s4;
	_ =	sdelay $0x1  }
0xa1: {  	s23 =	simm.s32 $0x1B8B  }
0xa2: {  	_ =	swait.ge [sflag:s23], $0x1  }
0xa3: {  	[sflag:s23] =	ssyncset.done $0x0  }
0xa4: {  	s25 =	simm.s32 $0x1B8E;
	s24 =	sld [smem:$0x3FFE];
	[sflag:s23] =	ssyncadd.s32 $0xFFFFFFFF  }
0xa5: {  	s26 =	simm.s32 $execute0_lowered;
	[smem:$0x3FD2] =	sst s25  }
0xa6: {  	s5 =	sshll.u32 s26, $0x1;
	_ =	strace $0x80000046;
	[dreg:$0x1] =	wrdreg $0xFFFFFFFF  }
0xa7: {  	s28 =	simm.s32 $_size_execute0_lowered;
	s3 =	sadd.s32 s3, s5;
	[dreg:$0x0] =	wrdreg $0x0  }
0xa8: {  	s5 =	sshll.u32 s28, $0x1;
	[dreg:$0x2] =	wrdreg s3  }
0xa9: {  	[dreg:$0x3] =	wrdreg s5  }
0xaa: {  	[dreg:$0x4] =	wrdreg $0xC0  }
0xab: {  	_ =	task [dreg:s7], $0x5FFFF  }
0xac: {  	[dreg:$0x1] =	wrdreg $0xFFFFFFFF  }
0xad: {  	[dreg:$0x0] =	wrdreg $0x60  }
0xae: {  	[dreg:$0x2] =	wrdreg s24  }
0xaf: {  	[dreg:$0x3] =	wrdreg s2  }
0xb0: {  	[dreg:$0x4] =	wrdreg $0x9  }
0xb1: {  	_ =	task.clear_ibuf [dreg:s7], $0x5FFFF;
	_ =	strace $0x90000046  }
0xb2: {  	s29 =	simm.s32 $0x9;
	_ =	strace $0x80000048  }
0xb3: {  	_ =	swait.ge [sflag:s29], $0x1  }
0xb4: {  	[sflag:s29] =	ssyncadd.s32 $0xFFFFFFFF  }
0xb5: {  	_ =	strace $0x90000048  }
0xb6: {  	_ =	sfence  }
0xb7: {  	s30 =	sld [smem:$0x0];
	_ =	sdelay $0x2  }
0xb8: {  	s31 =	sshll.u32 s1, $0xD;
	s1 =	sshrl.u32 s1, $0x2  }
0xb9: {  	s3 =	sand.u32 $0x4000, s31;
	s1 =	sadd.s32 s1, s30  }
0xba: {  	s0 =	sor.u32 s3, s0;
	s1 =	sshll.u32 s1, $0x11  }
0xbb: {  	s0 =	sor.u32 s1, s0  }
0xbc: {  	s0 =	sadd.s32 $0x8F2B, s0  }
0xbd: {  	[sflag:s0] =	ssyncadd.remote.s32 $0x1  }
0xbe: {  	_ =	sfence.sel $0xFFFF  }
0xbf: {  	[dreg:$0x0] =	wrdreg $0xFFFFFFFF;
	(pc) =	sbr.abs _section_cstart, $3  }
0xc0: {  	[dreg:$0x1] =	wrdreg $0xFFFFFFFF  }
0xc1: {  	_ =	task.clear_ibuf [dreg:s7], $0x2FFFF;
	_ =	strace $0x9FFFFFFF  }
0xc2: {  	(tm) =	ssettm $0x7FFFFFFF  }
0xc3: {  	_ =	shalt  }
tec
execute0_lowered:
.L_overlay_start_1:
0x0: {  	(tag) =	ssettag $0x1  }
0x1: {  	s1 =	srdreg.scid;
	s6 =	rddreg [dreg:$0x0]  }
0x2: {  	s0 =	stileid.u32;
	s2 =	rddreg [dreg:$0x1];
	s3 =	simm.s32 $0x0  }
0x3: {  	s9 =	simm.s32 $0x5;
	s10 =	simm.s32 $0x6400;
	s11 =	simm.s32 $0x80  }
0x4: {  	s12 =	simm.s32 $0x9600;
	s13 =	simm.s32 $0x48;
	s14 =	simm.s32 $0xB600  }
0x5: {  	s15 =	simm.s32 $0xC8;
	s16 =	simm.s32 $0xC800;
	s17 =	simm.s32 $0x148  }
0x6: {  	s18 =	simm.s32 $0xE800;
	s19 =	simm.s32 $0x1;
	s20 =	simm.s32 $0xFA00  }
0x7: {  	s21 =	simm.s32 $0x2;
	s22 =	simm.s32 $0x12C00;
	s1 =	sand.u32 $0x1, s1  }
0x8: {  	s23 =	simm.s32 $0x3;
	s4 =	sshll.u32 s0, $0x8;
	s5 =	sshll.u32 s1, $0x7  }
.Ltmp0:
0x9: {  	s1 =	ssub.s32 $0x2, s1;
	s4 =	sor.u32 s5, s4;
	(pc) =	sbr.rel .LBB2_1-.Ltmp0, $4  }
0xa: {  	s24 =	simm.s32 $0x4;
	s8 =	sshrl.u32 s1, $0x1;
	s5 =	smul.u32 $0x19, s4  }
0xb: {  	s25 =	simm.s32 $0x0;
	[smem:$0x7FF] =	sst s3;
	s1 =	ssub.s32 s1, s8  }
0xc: {  	_ =	strace $0x80000047;
	s8 =	smax.u32 s1, $0x1;
	s7 =	sadd.s32 s5, s6  }
0xd: {  	s5 =	sadd.s32 $0x19C00, s6;
	s6 =	sadd.s32 $0xF43000, s6;
	s7 =	sadd.s32 $0xC00, s7  }
.LBB2_8:
0xe: {  	s25 =	sadd.s32 $0x1, s25  }
0xf: {  	_ =	swait.ge [sflag:s23], $0x3200;
	p0 =	sne.s32 s25, s8  }
.Ltmp1:
0x10: {  	[sflag:s23] =	ssyncset.done $0x0;
	(pc) =	sbr.rel @!p0 .LBB2_9-.Ltmp1, $4  }
0x11: {  	[sflag:s23] =	ssyncadd.s32 $0xFFFFCE00  }
0x12: {  	_ =	swait.ge [sflag:s24], $0x3200  }
0x13: {  	[sflag:s24] =	ssyncset.done $0x0  }
0x14: {  	[sflag:s24] =	ssyncadd.s32 $0xFFFFCE00  }
.LBB2_1:
0x15: {  	[tilespmem:s3], [sflag:$0x5] =	stream.linear.gather [hbm4b:s7+s3], $0x6400, $0x38;
	[tilespmem:$0x15E00] =	vst v63  }
0x16: {  	_ =	swait.ge [sflag:s9], $0x6400  }
0x17: {  	[sflag:s9] =	ssyncset.done $0x0  }
0x18: {  	[sflag:s9] =	ssyncadd.s32 $0xFFFF9C00  }
0x19: {  	[tilespmem:s10], [sflag:$0x5] =	stream.linear.gather [hbm4b:s5+s3], $0x3200, $0x38;
	[tilespmem:$0x15E00] =	vst v63  }
0x1a: {  	_ =	swait.ge [sflag:s9], $0x3200  }
0x1b: {  	[sflag:s9] =	ssyncset.done $0x0  }
0x1c: {  	[sflag:s9] =	ssyncadd.s32 $0xFFFFCE00  }
0x1d: {  	[tilespmem:s12], [sflag:$0x1] =	stream.indirect.gather [hbm4b:s6+s11], $0x40, s3, s11, $0xb8;
	[tilespmem:$0x15E00] =	vst v63  }
0x1e: {  	_ = 	snop  }
0x1f: {  	[tilespmem:s14], [sflag:$0x1] =	stream.indirect.gather [hbm4b:s6+s13], $0x40, s11, s13, $0xb8;
	[tilespmem:$0x15E00] =	vst v63  }
0x20: {  	_ = 	snop  }
0x21: {  	[tilespmem:s16], [sflag:$0x2] =	stream.indirect.gather [hbm4b:s6+s11], $0x40, s15, s11, $0xb8;
	[tilespmem:$0x15E00] =	vst v63  }
0x22: {  	s26 =	simm.s32 $0x0  }
0x23: {  	[tilespmem:s18], [sflag:$0x2] =	stream.indirect.gather [hbm4b:s6+s13], $0x40, s17, s13, $0xb8;
	[tilespmem:$0x15E00] =	vst v63  }
.LBB2_2:
0x24: {  	_ =	swait.ge [sflag:s19], $0x2000  }
0x25: {  	[sflag:s19] =	ssyncset.done $0x0  }
0x26: {  	[sflag:s19] =	ssyncadd.s32 $0xFFFFE000  }
0x27: {  	_ =	swait.ge [sflag:s19], $0x1200  }
0x28: {  	p0 =	seq.s32 s26, $0x0;
	[sflag:s19] =	ssyncset.done $0x0  }
0x29: {  	s1 =	simm.s32 @!p0 $0x3;
	[sflag:s19] =	ssyncadd.s32 $0xFFFFEE00  }
0x2a: {  	_ =	swait.ge @!p0 [sflag:s1], $0x3200  }
0x2b: {  	[sflag:s1] =	ssyncset.done @!p0 $0x0  }
0x2c: {  	[sflag:s1] =	ssyncadd.s32 @!p0 $0xFFFFCE00;
	s1 =	simm.s32 $0x9700  }
0x2d: {  	s30 =	simm.s32 $0x6500;
	v0 =	vld [tilespmem:s1+$0xC0]  }
0x2e: {  	v1 =	vld [tilespmem:s30+$0xC0]  }
0x2f: {  	v2 =	vld [tilespmem:s30+$0xFFFFFF00]  }
0x30: {  	v3 =	vld [tilespmem:s1+$0xFFFFFF40]  }
0x31: {  	v4 =	vld [tilespmem:s30+$0xFFFFFF40]  }
0x32: {  	v5 =	vld [tilespmem:s1+$0xFFFFFF80]  }
0x33: {  	v6 =	vld [tilespmem:s30+$0xFFFFFF80]  }
0x34: {  	v7 =	vld [tilespmem:s30+$0xFFFFFFC0]  }
0x35: {  	v9 =	vld [tilespmem:s1+$0x0]  }
0x36: {  	v10 =	vld [tilespmem:s30+$0x0]  }
0x37: {  	v11 =	vld [tilespmem:s1+$0x40]  }
0x38: {  	v12 =	vld [tilespmem:s30+$0x40];
	v0 =	vadd.f32 v1, v0  }
0x39: {  	s29 =	simm.s32 $0xFB00;
	v1 =	vld [tilespmem:s1+$0xFFFFFFC0]  }
0x3a: {  	v3 =	vadd.f32 v4, v3;
	v4 =	vld [tilespmem:s1+$0xFFFFFF00];
	[tilespmem:s29+$0xC0] =	vst v0  }
0x3b: {  	v0 =	vld [tilespmem:s1+$0xD0]  }
0x3c: {  	v8 =	vld [tilespmem:s30+$0xD0]  }
0x3d: {  	v13 =	vld [tilespmem:s1+$0x80];
	[tilespmem:s29+$0xFFFFFF40] =	vst v3;
	v3 =	vadd.f32 v6, v5  }
0x3e: {  	v6 =	vld [tilespmem:s1+$0xFFFFFF50]  }
0x3f: {  	[tilespmem:s29+$0xFFFFFF80] =	vst v3;
	v3 =	vld [tilespmem:s30+$0xFFFFFF50];
	v1 =	vadd.f32 v7, v1  }
0x40: {  	v2 =	vadd.f32 v2, v4;
	v4 =	vld [tilespmem:s1+$0xFFFFFF90]  }
0x41: {  	[tilespmem:s29+$0xFFFFFFC0] =	vst v1;
	v1 =	vld [tilespmem:s30+$0xFFFFFF90];
	v0 =	vadd.f32 v8, v0  }
0x42: {  	[tilespmem:s29+$0xFFFFFF00] =	vst v2;
	v2 =	vld [tilespmem:s1+$0xFFFFFFD0]  }
0x43: {  	v55 =	vld [tilespmem:s30+$0xFFFFFFD0];
	[tilespmem:s29+$0xD0] =	vst v0  }
0x44: {  	v3 =	vadd.f32 v3, v6;
	v0 =	vld [tilespmem:s1+$0xE0]  }
0x45: {  	v5 =	vld [tilespmem:s30+$0xE0]  }
0x46: {  	v8 =	vld [tilespmem:s30+$0x80];
	[tilespmem:s29+$0xFFFFFF50] =	vst v3;
	v1 =	vadd.f32 v1, v4  }
0x47: {  	v4 =	vld [tilespmem:s1+$0xFFFFFF60]  }
0x48: {  	[tilespmem:s29+$0xFFFFFF90] =	vst v1;
	v1 =	vadd.f32 v55, v2;
	v2 =	vld [tilespmem:s30+$0xFFFFFF60]  }
0x49: {  	v7 =	vld [tilespmem:s30+$0xFFFFFF10]  }
0x4a: {  	v58 =	vld [tilespmem:s1+$0xFFFFFFA0];
	v0 =	vadd.f32 v5, v0  }
0x4b: {  	v5 =	vld [tilespmem:s1+$0xFFFFFF10];
	[tilespmem:s29+$0xFFFFFFD0] =	vst v1  }
0x4c: {  	v59 =	vld [tilespmem:s1+$0xFFFFFFE0];
	[tilespmem:s29+$0xE0] =	vst v0;
	v0 =	vadd.f32 v10, v9  }
0x4d: {  	v53 =	vld [tilespmem:s1+$0xF0];
	v2 =	vadd.f32 v2, v4  }
0x4e: {  	v54 =	vld [tilespmem:s30+$0xF0];
	[tilespmem:s29+$0x0] =	vst v0;
	v0 =	vadd.f32 v12, v11  }
0x4f: {  	v56 =	vld [tilespmem:s1+$0x10];
	[tilespmem:s29+$0xFFFFFF60] =	vst v2  }
0x50: {  	[tilespmem:s29+$0x40] =	vst v0;
	v0 =	vadd.f32 v8, v13;
	v8 =	vld [tilespmem:s30+$0x10]  }
0x51: {  	v61 =	vld [tilespmem:s1+$0xFFFFFF70]  }
0x52: {  	v57 =	vld [tilespmem:s1+$0x50]  }
0x53: {  	[tilespmem:s29+$0x80] =	vst v0;
	v0 =	vadd.f32 v7, v5;
	v5 =	vld [tilespmem:s30+$0x50]  }
0x54: {  	v7 =	vld [tilespmem:s1+$0x90]  }
0x55: {  	[tilespmem:s29+$0xFFFFFF10] =	vst v0;
	v0 =	vld [tilespmem:s30+$0x90]  }
0x56: {  	v6 =	vld [tilespmem:s1+$0xFFFFFF20]  }
0x57: {  	v3 =	vld [tilespmem:s30+$0xFFFFFF20];
	v1 =	vadd.f32 v8, v56  }
0x58: {  	v8 =	vld [tilespmem:s30+$0xFFFFFFA0]  }
0x59: {  	[tilespmem:s29+$0x10] =	vst v1;
	v1 =	vadd.f32 v5, v57;
	v5 =	vld [tilespmem:s30+$0xFFFFFFE0]  }
0x5a: {  	v60 =	vld [tilespmem:s1+$0x20]  }
0x5b: {  	[tilespmem:s29+$0x50] =	vst v1;
	v0 =	vadd.f32 v0, v7;
	v1 =	vld [tilespmem:s30+$0x20]  }
0x5c: {  	v7 =	vld [tilespmem:s1+$0x60]  }
0x5d: {  	v3 =	vadd.f32 v3, v6;
	[tilespmem:s29+$0x90] =	vst v0;
	v0 =	vld [tilespmem:s30+$0x60]  }
0x5e: {  	v2 =	vadd.f32 v8, v58;
	v6 =	vld [tilespmem:s1+$0xA0]  }
0x5f: {  	[tilespmem:s29+$0xFFFFFF20] =	vst v3;
	v3 =	vld [tilespmem:s30+$0xA0]  }
0x60: {  	[tilespmem:s29+$0xFFFFFFA0] =	vst v2;
	v2 =	vadd.f32 v5, v59;
	v5 =	vld [tilespmem:s30+$0xFFFFFF70]  }
0x61: {  	v4 =	vld [tilespmem:s1+$0xFFFFFF30]  }
0x62: {  	v8 =	vld [tilespmem:s30+$0xFFFFFF30]  }
0x63: {  	v62 =	vld [tilespmem:s1+$0xFFFFFFB0]  }
0x64: {  	[tilespmem:s29+$0xFFFFFFE0] =	vst v2;
	v1 =	vadd.f32 v1, v60;
	v2 =	vld [tilespmem:s30+$0xFFFFFFB0]  }
0x65: {  	v9 =	vadd.f32 v54, v53;
	v63 =	vld [tilespmem:s1+$0xFFFFFFF0]  }
0x66: {  	[tilespmem:s29+$0x20] =	vst v1;
	v1 =	vadd.f32 v0, v7;
	v7 =	vld [tilespmem:s30+$0xFFFFFFF0]  }
0x67: {  	[tilespmem:s29+$0xF0] =	vst v9;
	v6 =	vadd.f32 v3, v6;
	v0 =	vld [tilespmem:s1+$0x30]  }
0x68: {  	v3 =	vld [tilespmem:s30+$0x30];
	[tilespmem:s29+$0x60] =	vst v1;
	v4 =	vadd.f32 v8, v4  }
0x69: {  	[tilespmem:s29+$0xA0] =	vst v6;
	v1 =	vld [tilespmem:s1+$0x70];
	v6 =	vadd.f32 v2, v62  }
0x6a: {  	v5 =	vadd.f32 v5, v61;
	[tilespmem:s29+$0xFFFFFF30] =	vst v4;
	v4 =	vld [tilespmem:s30+$0x70]  }
0x6b: {  	v2 =	vld [tilespmem:s1+$0xB0];
	[tilespmem:s29+$0xFFFFFFB0] =	vst v6;
	v6 =	vadd.f32 v7, v63  }
0x6c: {  	s28 =	sshll.u32 s26, $0x1;
	s31 =	simm.s32 $0x0;
	[tilespmem:s29+$0xFFFFFF70] =	vst v5;
	v5 =	vld [tilespmem:s30+$0xB0];
	s1 =	simm.s32 $0x9900  }
.LBB2_3:
0x6d: {  	v7 =	vld [tilespmem:s1+$0xC0];
	[tilespmem:s29+$0xFFFFFFF0] =	vst v6;
	v0 =	vadd.f32 v3, v0;
	s30 =	sadd.s32 $0x200, s30  }
0x6e: {  	v3 =	vld [tilespmem:s30+$0xC0]  }
0x6f: {  	v6 =	vld [tilespmem:s30+$0xFFFFFF00];
	[tilespmem:s29+$0x30] =	vst v0;
	v0 =	vadd.f32 v4, v1  }
0x70: {  	v1 =	vld [tilespmem:s1+$0xFFFFFF40]  }
0x71: {  	s31 =	sadd.s32 $0x8, s31;
	v4 =	vld [tilespmem:s30+$0xFFFFFF40];
	[tilespmem:s29+$0x70] =	vst v0;
	v0 =	vadd.f32 v5, v2  }
0x72: {  	p1 =	slt.u32 s31, $0xC0;
	v2 =	vld [tilespmem:s1+$0xFFFFFF80]  }
0x73: {  	v5 =	vld [tilespmem:s30+$0xFFFFFF80];
	v3 =	vadd.f32 v3, v7;
	[tilespmem:s29+$0xB0] =	vst v0  }
0x74: {  	s29 =	sadd.s32 $0x200, s29;
	v0 =	vld [tilespmem:s1+$0xFFFFFFC0]  }
0x75: {  	v7 =	vld [tilespmem:s30+$0xFFFFFFC0];
	[tilespmem:s29+$0xC0] =	vst v3  }
0x76: {  	v1 =	vadd.f32 v4, v1;
	v3 =	vld [tilespmem:s1+$0xD0]  }
0x77: {  	v4 =	vld [tilespmem:s30+$0xD0]  }
0x78: {  	[tilespmem:s29+$0xFFFFFF40] =	vst v1;
	v1 =	vadd.f32 v5, v2;
	v2 =	vld [tilespmem:s1+$0x0]  }
0x79: {  	v5 =	vld [tilespmem:s30+$0x0]  }
0x7a: {  	[tilespmem:s29+$0xFFFFFF80] =	vst v1;
	v0 =	vadd.f32 v7, v0;
	v1 =	vld [tilespmem:s1+$0x40]  }
0x7b: {  	v7 =	vld [tilespmem:s30+$0x40]  }
0x7c: {  	[tilespmem:s29+$0xFFFFFFC0] =	vst v0;
	v0 =	vld [tilespmem:s1+$0x80];
	v3 =	vadd.f32 v4, v3  }
0x7d: {  	v4 =	vld [tilespmem:s30+$0x80]  }
0x7e: {  	v8 =	vld [tilespmem:s1+$0xFFFFFF00];
	v2 =	vadd.f32 v5, v2;
	[tilespmem:s29+$0xD0] =	vst v3  }
0x7f: {  	v3 =	vld [tilespmem:s1+$0xE0]  }
0x80: {  	[tilespmem:s29+$0x0] =	vst v2;
	v1 =	vadd.f32 v7, v1;
	v2 =	vld [tilespmem:s30+$0xE0]  }
0x81: {  	v5 =	vld [tilespmem:s1+$0xFFFFFF50]  }
0x82: {  	v7 =	vld [tilespmem:s30+$0xFFFFFF50];
	[tilespmem:s29+$0x40] =	vst v1;
	v0 =	vadd.f32 v4, v0  }
0x83: {  	v1 =	vadd.f32 v6, v8;
	v4 =	vld [tilespmem:s1+$0xFFFFFF90]  }
0x84: {  	v6 =	vld [tilespmem:s30+$0xFFFFFF90];
	[tilespmem:s29+$0x80] =	vst v0  }
0x85: {  	[tilespmem:s29+$0xFFFFFF00] =	vst v1;
	v0 =	vld [tilespmem:s1+$0xFFFFFFD0];
	v1 =	vadd.f32 v2, v3  }
0x86: {  	v2 =	vld [tilespmem:s1+$0xFFFFFF10]  }
0x87: {  	v3 =	vld [tilespmem:s30+$0xFFFFFF10];
	v5 =	vadd.f32 v7, v5;
	[tilespmem:s29+$0xE0] =	vst v1  }
0x88: {  	v1 =	vld [tilespmem:s1+$0xF0]  }
0x89: {  	[tilespmem:s29+$0xFFFFFF50] =	vst v5;
	v4 =	vadd.f32 v6, v4;
	v5 =	vld [tilespmem:s30+$0xF0]  }
0x8a: {  	v6 =	vld [tilespmem:s30+$0xFFFFFFD0]  }
0x8b: {  	[tilespmem:s29+$0xFFFFFF90] =	vst v4;
	v4 =	vld [tilespmem:s1+$0x10]  }
0x8c: {  	v2 =	vadd.f32 v3, v2;
	v3 =	vld [tilespmem:s30+$0x10]  }
0x8d: {  	v7 =	vld [tilespmem:s1+$0x50]  }
0x8e: {  	[tilespmem:s29+$0xFFFFFF10] =	vst v2;
	v2 =	vld [tilespmem:s30+$0x50];
	v1 =	vadd.f32 v5, v1  }
0x8f: {  	v0 =	vadd.f32 v6, v0;
	v5 =	vld [tilespmem:s1+$0x90]  }
0x90: {  	v6 =	vld [tilespmem:s30+$0x90];
	[tilespmem:s29+$0xF0] =	vst v1  }
0x91: {  	v1 =	vld [tilespmem:s1+$0xFFFFFF20];
	[tilespmem:s29+$0xFFFFFFD0] =	vst v0;
	v0 =	vadd.f32 v3, v4  }
0x92: {  	v3 =	vld [tilespmem:s30+$0xFFFFFF20]  }
0x93: {  	v4 =	vld [tilespmem:s1+$0xFFFFFF60];
	[tilespmem:s29+$0x10] =	vst v0;
	v0 =	vadd.f32 v2, v7  }
0x94: {  	v2 =	vld [tilespmem:s30+$0xFFFFFF60]  }
0x95: {  	v7 =	vld [tilespmem:s1+$0xFFFFFFA0];
	[tilespmem:s29+$0x50] =	vst v0;
	v0 =	vadd.f32 v6, v5  }
0x96: {  	v5 =	vld [tilespmem:s30+$0xFFFFFFA0]  }
0x97: {  	v1 =	vadd.f32 v3, v1;
	v3 =	vld [tilespmem:s1+$0xFFFFFFE0];
	[tilespmem:s29+$0x90] =	vst v0  }
0x98: {  	v0 =	vld [tilespmem:s30+$0xFFFFFFE0]  }
0x99: {  	[tilespmem:s29+$0xFFFFFF20] =	vst v1;
	v1 =	vadd.f32 v2, v4;
	v2 =	vld [tilespmem:s1+$0x20]  }
0x9a: {  	v4 =	vld [tilespmem:s30+$0x20]  }
0x9b: {  	[tilespmem:s29+$0xFFFFFF60] =	vst v1;
	v1 =	vadd.f32 v5, v7;
	v5 =	vld [tilespmem:s1+$0x60]  }
0x9c: {  	v6 =	vld [tilespmem:s30+$0x60]  }
0x9d: {  	[tilespmem:s29+$0xFFFFFFA0] =	vst v1;
	v0 =	vadd.f32 v0, v3;
	v1 =	vld [tilespmem:s1+$0xA0]  }
0x9e: {  	v3 =	vld [tilespmem:s30+$0xA0]  }
0x9f: {  	v7 =	vld [tilespmem:s1+$0xFFFFFF30];
	[tilespmem:s29+$0xFFFFFFE0] =	vst v0;
	v0 =	vadd.f32 v4, v2  }
0xa0: {  	v2 =	vld [tilespmem:s30+$0xFFFFFF30]  }
0xa1: {  	v4 =	vld [tilespmem:s1+$0xFFFFFF70];
	[tilespmem:s29+$0x20] =	vst v0;
	v0 =	vadd.f32 v6, v5  }
0xa2: {  	v5 =	vld [tilespmem:s30+$0xFFFFFF70]  }
0xa3: {  	v6 =	vld [tilespmem:s1+$0xFFFFFFB0];
	[tilespmem:s29+$0x60] =	vst v0;
	v0 =	vadd.f32 v3, v1  }
0xa4: {  	v1 =	vld [tilespmem:s30+$0xFFFFFFB0]  }
0xa5: {  	v2 =	vadd.f32 v2, v7;
	v7 =	vld [tilespmem:s1+$0xFFFFFFF0];
	[tilespmem:s29+$0xA0] =	vst v0  }
0xa6: {  	v8 =	vld [tilespmem:s30+$0xFFFFFFF0]  }
0xa7: {  	[tilespmem:s29+$0xFFFFFF30] =	vst v2;
	v2 =	vadd.f32 v5, v4;
	v0 =	vld [tilespmem:s1+$0x30]  }
.Ltmp2:
0xa8: {  	v3 =	vld [tilespmem:s30+$0x30];
	(pc) =	sbr.rel @p1 .LBB2_3-.Ltmp2, $4  }
0xa9: {  	[tilespmem:s29+$0xFFFFFF70] =	vst v2;
	v2 =	vadd.f32 v1, v6;
	v1 =	vld [tilespmem:s1+$0x70]  }
0xaa: {  	v4 =	vld [tilespmem:s30+$0x70]  }
0xab: {  	[tilespmem:s29+$0xFFFFFFB0] =	vst v2;
	v6 =	vadd.f32 v8, v7;
	v2 =	vld [tilespmem:s1+$0xB0]  }
0xac: {  	s1 =	sadd.s32 $0x200, s1;
	v5 =	vld [tilespmem:s30+$0xB0]  }
0xad: {  	_ =	sdelay $0x1  }
0xae: {  	v0 =	vadd.f32 v3, v0  }
0xaf: {  	[tilespmem:s29+$0xFFFFFFF0] =	vst v6;
	s1 =	sadd.s32 s4, s28;
	v1 =	vadd.f32 v4, v1  }
0xb0: {  	s1 =	smul.u32 $0x640, s1;
	[tilespmem:s29+$0x30] =	vst v0;
	v0 =	vadd.f32 v5, v2  }
0xb1: {  	p1 =	seq.s32 s26, $0x3F;
	[tilespmem:s29+$0x70] =	vst v1  }
0xb2: {  	s1 =	sadd.s32 s2, s1;
	[tilespmem:s29+$0xB0] =	vst v0;
	s29 =	smul.u32 @!p1 $0x640, s26  }
0xb3: {  	[hbm4b:s1+s3] =	stream.linear.scatter [tilespmem:s20], [sflag:$0x3], $0x3200, $0x38;
	[tilespmem:$0x15E00] =	vst v63  }
0xb4: {  	s1 =	sshra.s32 @!p1 s29, $0x2  }
0xb5: {  	s30 =	simm.s32 @!p1 $0x80;
	s31 =	simm.s32 @!p1 $0x9600;
	s29 =	sadd.s32 @!p1 $0x190, s1  }
0xb6: {  	[tilespmem:s31], [sflag:$0x1] =	stream.indirect.gather @!p1 [hbm4b:s6+s30], $0x40, s29, s30, $0xb8;
	[tilespmem:$0x15E00] =	vst v63  }
0xb7: {  	s1 =	sadd.s32 @!p1 $0x210, s1;
	s29 =	simm.s32 @!p1 $0x48;
	s30 =	simm.s32 @!p1 $0xB600  }
0xb8: {  	[tilespmem:s30], [sflag:$0x1] =	stream.indirect.gather @!p1 [hbm4b:s6+s29], $0x40, s1, s29, $0xb8;
	[tilespmem:$0x15E00] =	vst v63  }
0xb9: {  	_ =	swait.ge [sflag:s21], $0x2000  }
0xba: {  	[sflag:s21] =	ssyncset.done $0x0  }
0xbb: {  	[sflag:s21] =	ssyncadd.s32 $0xFFFFE000  }
0xbc: {  	_ =	swait.ge [sflag:s21], $0x1200  }
0xbd: {  	[sflag:s21] =	ssyncset.done $0x0  }
0xbe: {  	s1 =	simm.s32 @!p0 $0x4;
	[sflag:s21] =	ssyncadd.s32 $0xFFFFEE00  }
0xbf: {  	_ =	swait.ge @!p0 [sflag:s1], $0x3200  }
0xc0: {  	[sflag:s1] =	ssyncset.done @!p0 $0x0  }
0xc1: {  	[sflag:s1] =	ssyncadd.s32 @!p0 $0xFFFFCE00;
	s1 =	simm.s32 $0xC900  }
0xc2: {  	s30 =	simm.s32 $0x6500;
	v0 =	vld [tilespmem:s1+$0xC0]  }
0xc3: {  	v1 =	vld [tilespmem:s30+$0xC0]  }
0xc4: {  	v2 =	vld [tilespmem:s30+$0xFFFFFF00]  }
0xc5: {  	v3 =	vld [tilespmem:s1+$0xFFFFFF40]  }
0xc6: {  	v4 =	vld [tilespmem:s30+$0xFFFFFF40]  }
0xc7: {  	v5 =	vld [tilespmem:s1+$0xFFFFFF80]  }
0xc8: {  	v6 =	vld [tilespmem:s30+$0xFFFFFF80]  }
0xc9: {  	v7 =	vld [tilespmem:s30+$0xFFFFFFC0]  }
0xca: {  	v9 =	vld [tilespmem:s1+$0x0]  }
0xcb: {  	v10 =	vld [tilespmem:s30+$0x0]  }
0xcc: {  	v11 =	vld [tilespmem:s1+$0x40]  }
0xcd: {  	v12 =	vld [tilespmem:s30+$0x40];
	v0 =	vadd.f32 v1, v0  }
0xce: {  	s29 =	simm.s32 $0x12D00;
	v1 =	vld [tilespmem:s1+$0xFFFFFFC0]  }
0xcf: {  	v3 =	vadd.f32 v4, v3;
	v4 =	vld [tilespmem:s1+$0xFFFFFF00];
	[tilespmem:s29+$0xC0] =	vst v0  }
0xd0: {  	v0 =	vld [tilespmem:s1+$0xD0]  }
0xd1: {  	v8 =	vld [tilespmem:s30+$0xD0]  }
0xd2: {  	v13 =	vld [tilespmem:s1+$0x80];
	[tilespmem:s29+$0xFFFFFF40] =	vst v3;
	v3 =	vadd.f32 v6, v5  }
0xd3: {  	v6 =	vld [tilespmem:s1+$0xFFFFFF50]  }
0xd4: {  	[tilespmem:s29+$0xFFFFFF80] =	vst v3;
	v3 =	vld [tilespmem:s30+$0xFFFFFF50];
	v1 =	vadd.f32 v7, v1  }
0xd5: {  	v2 =	vadd.f32 v2, v4;
	v4 =	vld [tilespmem:s1+$0xFFFFFF90]  }
0xd6: {  	[tilespmem:s29+$0xFFFFFFC0] =	vst v1;
	v1 =	vld [tilespmem:s30+$0xFFFFFF90];
	v0 =	vadd.f32 v8, v0  }
0xd7: {  	[tilespmem:s29+$0xFFFFFF00] =	vst v2;
	v2 =	vld [tilespmem:s1+$0xFFFFFFD0]  }
0xd8: {  	v55 =	vld [tilespmem:s30+$0xFFFFFFD0];
	[tilespmem:s29+$0xD0] =	vst v0  }
0xd9: {  	v3 =	vadd.f32 v3, v6;
	v0 =	vld [tilespmem:s1+$0xE0]  }
0xda: {  	v5 =	vld [tilespmem:s30+$0xE0]  }
0xdb: {  	v8 =	vld [tilespmem:s30+$0x80];
	[tilespmem:s29+$0xFFFFFF50] =	vst v3;
	v1 =	vadd.f32 v1, v4  }
0xdc: {  	v4 =	vld [tilespmem:s1+$0xFFFFFF60]  }
0xdd: {  	[tilespmem:s29+$0xFFFFFF90] =	vst v1;
	v1 =	vadd.f32 v55, v2;
	v2 =	vld [tilespmem:s30+$0xFFFFFF60]  }
0xde: {  	v7 =	vld [tilespmem:s30+$0xFFFFFF10]  }
0xdf: {  	v58 =	vld [tilespmem:s1+$0xFFFFFFA0];
	v0 =	vadd.f32 v5, v0  }
0xe0: {  	v5 =	vld [tilespmem:s1+$0xFFFFFF10];
	[tilespmem:s29+$0xFFFFFFD0] =	vst v1  }
0xe1: {  	v59 =	vld [tilespmem:s1+$0xFFFFFFE0];
	[tilespmem:s29+$0xE0] =	vst v0;
	v0 =	vadd.f32 v10, v9  }
0xe2: {  	v53 =	vld [tilespmem:s1+$0xF0];
	v2 =	vadd.f32 v2, v4  }
0xe3: {  	v54 =	vld [tilespmem:s30+$0xF0];
	[tilespmem:s29+$0x0] =	vst v0;
	v0 =	vadd.f32 v12, v11  }
0xe4: {  	v56 =	vld [tilespmem:s1+$0x10];
	[tilespmem:s29+$0xFFFFFF60] =	vst v2  }
0xe5: {  	[tilespmem:s29+$0x40] =	vst v0;
	v0 =	vadd.f32 v8, v13;
	v8 =	vld [tilespmem:s30+$0x10]  }
0xe6: {  	v61 =	vld [tilespmem:s1+$0xFFFFFF70]  }
0xe7: {  	v57 =	vld [tilespmem:s1+$0x50]  }
0xe8: {  	[tilespmem:s29+$0x80] =	vst v0;
	v0 =	vadd.f32 v7, v5;
	v5 =	vld [tilespmem:s30+$0x50]  }
0xe9: {  	v7 =	vld [tilespmem:s1+$0x90]  }
0xea: {  	[tilespmem:s29+$0xFFFFFF10] =	vst v0;
	v0 =	vld [tilespmem:s30+$0x90]  }
0xeb: {  	v6 =	vld [tilespmem:s1+$0xFFFFFF20]  }
0xec: {  	v3 =	vld [tilespmem:s30+$0xFFFFFF20];
	v1 =	vadd.f32 v8, v56  }
0xed: {  	v8 =	vld [tilespmem:s30+$0xFFFFFFA0]  }
0xee: {  	[tilespmem:s29+$0x10] =	vst v1;
	v1 =	vadd.f32 v5, v57;
	v5 =	vld [tilespmem:s30+$0xFFFFFFE0]  }
0xef: {  	v60 =	vld [tilespmem:s1+$0x20]  }
0xf0: {  	[tilespmem:s29+$0x50] =	vst v1;
	v0 =	vadd.f32 v0, v7;
	v1 =	vld [tilespmem:s30+$0x20]  }
0xf1: {  	v7 =	vld [tilespmem:s1+$0x60]  }
0xf2: {  	v3 =	vadd.f32 v3, v6;
	[tilespmem:s29+$0x90] =	vst v0;
	v0 =	vld [tilespmem:s30+$0x60]  }
0xf3: {  	v2 =	vadd.f32 v8, v58;
	v6 =	vld [tilespmem:s1+$0xA0]  }
0xf4: {  	[tilespmem:s29+$0xFFFFFF20] =	vst v3;
	v3 =	vld [tilespmem:s30+$0xA0]  }
0xf5: {  	[tilespmem:s29+$0xFFFFFFA0] =	vst v2;
	v2 =	vadd.f32 v5, v59;
	v5 =	vld [tilespmem:s30+$0xFFFFFF70]  }
0xf6: {  	v4 =	vld [tilespmem:s1+$0xFFFFFF30]  }
0xf7: {  	v8 =	vld [tilespmem:s30+$0xFFFFFF30]  }
0xf8: {  	v62 =	vld [tilespmem:s1+$0xFFFFFFB0]  }
0xf9: {  	[tilespmem:s29+$0xFFFFFFE0] =	vst v2;
	v1 =	vadd.f32 v1, v60;
	v2 =	vld [tilespmem:s30+$0xFFFFFFB0]  }
0xfa: {  	v9 =	vadd.f32 v54, v53;
	v63 =	vld [tilespmem:s1+$0xFFFFFFF0]  }
0xfb: {  	[tilespmem:s29+$0x20] =	vst v1;
	v1 =	vadd.f32 v0, v7;
	v7 =	vld [tilespmem:s30+$0xFFFFFFF0]  }
0xfc: {  	[tilespmem:s29+$0xF0] =	vst v9;
	v6 =	vadd.f32 v3, v6;
	v0 =	vld [tilespmem:s1+$0x30]  }
0xfd: {  	v3 =	vld [tilespmem:s30+$0x30];
	[tilespmem:s29+$0x60] =	vst v1;
	v4 =	vadd.f32 v8, v4  }
0xfe: {  	[tilespmem:s29+$0xA0] =	vst v6;
	v1 =	vld [tilespmem:s1+$0x70];
	v6 =	vadd.f32 v2, v62  }
0xff: {  	v5 =	vadd.f32 v5, v61;
	[tilespmem:s29+$0xFFFFFF30] =	vst v4;
	v4 =	vld [tilespmem:s30+$0x70]  }
0x100: {  	v2 =	vld [tilespmem:s1+$0xB0];
	[tilespmem:s29+$0xFFFFFFB0] =	vst v6;
	v6 =	vadd.f32 v7, v63  }
0x101: {  	s28 =	sor.u32 $0x1, s28;
	s31 =	simm.s32 $0x0;
	[tilespmem:s29+$0xFFFFFF70] =	vst v5;
	v5 =	vld [tilespmem:s30+$0xB0];
	s1 =	simm.s32 $0xCB00  }
.LBB2_5:
0x102: {  	v7 =	vld [tilespmem:s1+$0xC0];
	[tilespmem:s29+$0xFFFFFFF0] =	vst v6;
	v0 =	vadd.f32 v3, v0;
	s30 =	sadd.s32 $0x200, s30  }
0x103: {  	v3 =	vld [tilespmem:s30+$0xC0]  }
0x104: {  	v6 =	vld [tilespmem:s30+$0xFFFFFF00];
	[tilespmem:s29+$0x30] =	vst v0;
	v0 =	vadd.f32 v4, v1  }
0x105: {  	v1 =	vld [tilespmem:s1+$0xFFFFFF40]  }
0x106: {  	s31 =	sadd.s32 $0x8, s31;
	v4 =	vld [tilespmem:s30+$0xFFFFFF40];
	[tilespmem:s29+$0x70] =	vst v0;
	v0 =	vadd.f32 v5, v2  }
0x107: {  	p0 =	slt.u32 s31, $0xC0;
	v2 =	vld [tilespmem:s1+$0xFFFFFF80]  }
0x108: {  	v5 =	vld [tilespmem:s30+$0xFFFFFF80];
	v3 =	vadd.f32 v3, v7;
	[tilespmem:s29+$0xB0] =	vst v0  }
0x109: {  	s29 =	sadd.s32 $0x200, s29;
	v0 =	vld [tilespmem:s1+$0xFFFFFFC0]  }
0x10a: {  	v7 =	vld [tilespmem:s30+$0xFFFFFFC0];
	[tilespmem:s29+$0xC0] =	vst v3  }
0x10b: {  	v1 =	vadd.f32 v4, v1;
	v3 =	vld [tilespmem:s1+$0xD0]  }
0x10c: {  	v4 =	vld [tilespmem:s30+$0xD0]  }
0x10d: {  	[tilespmem:s29+$0xFFFFFF40] =	vst v1;
	v1 =	vadd.f32 v5, v2;
	v2 =	vld [tilespmem:s1+$0x0]  }
0x10e: {  	v5 =	vld [tilespmem:s30+$0x0]  }
0x10f: {  	[tilespmem:s29+$0xFFFFFF80] =	vst v1;
	v0 =	vadd.f32 v7, v0;
	v1 =	vld [tilespmem:s1+$0x40]  }
0x110: {  	v7 =	vld [tilespmem:s30+$0x40]  }
0x111: {  	[tilespmem:s29+$0xFFFFFFC0] =	vst v0;
	v0 =	vld [tilespmem:s1+$0x80];
	v3 =	vadd.f32 v4, v3  }
0x112: {  	v4 =	vld [tilespmem:s30+$0x80]  }
0x113: {  	v8 =	vld [tilespmem:s1+$0xFFFFFF00];
	v2 =	vadd.f32 v5, v2;
	[tilespmem:s29+$0xD0] =	vst v3  }
0x114: {  	v3 =	vld [tilespmem:s1+$0xE0]  }
0x115: {  	[tilespmem:s29+$0x0] =	vst v2;
	v1 =	vadd.f32 v7, v1;
	v2 =	vld [tilespmem:s30+$0xE0]  }
0x116: {  	v5 =	vld [tilespmem:s1+$0xFFFFFF50]  }
0x117: {  	v7 =	vld [tilespmem:s30+$0xFFFFFF50];
	[tilespmem:s29+$0x40] =	vst v1;
	v0 =	vadd.f32 v4, v0  }
0x118: {  	v1 =	vadd.f32 v6, v8;
	v4 =	vld [tilespmem:s1+$0xFFFFFF90]  }
0x119: {  	v6 =	vld [tilespmem:s30+$0xFFFFFF90];
	[tilespmem:s29+$0x80] =	vst v0  }
0x11a: {  	[tilespmem:s29+$0xFFFFFF00] =	vst v1;
	v0 =	vld [tilespmem:s1+$0xFFFFFFD0];
	v1 =	vadd.f32 v2, v3  }
0x11b: {  	v2 =	vld [tilespmem:s1+$0xFFFFFF10]  }
0x11c: {  	v3 =	vld [tilespmem:s30+$0xFFFFFF10];
	v5 =	vadd.f32 v7, v5;
	[tilespmem:s29+$0xE0] =	vst v1  }
0x11d: {  	v1 =	vld [tilespmem:s1+$0xF0]  }
0x11e: {  	[tilespmem:s29+$0xFFFFFF50] =	vst v5;
	v4 =	vadd.f32 v6, v4;
	v5 =	vld [tilespmem:s30+$0xF0]  }
0x11f: {  	v6 =	vld [tilespmem:s30+$0xFFFFFFD0]  }
0x120: {  	[tilespmem:s29+$0xFFFFFF90] =	vst v4;
	v4 =	vld [tilespmem:s1+$0x10]  }
0x121: {  	v2 =	vadd.f32 v3, v2;
	v3 =	vld [tilespmem:s30+$0x10]  }
0x122: {  	v7 =	vld [tilespmem:s1+$0x50]  }
0x123: {  	[tilespmem:s29+$0xFFFFFF10] =	vst v2;
	v2 =	vld [tilespmem:s30+$0x50];
	v1 =	vadd.f32 v5, v1  }
0x124: {  	v0 =	vadd.f32 v6, v0;
	v5 =	vld [tilespmem:s1+$0x90]  }
0x125: {  	v6 =	vld [tilespmem:s30+$0x90];
	[tilespmem:s29+$0xF0] =	vst v1  }
0x126: {  	v1 =	vld [tilespmem:s1+$0xFFFFFF20];
	[tilespmem:s29+$0xFFFFFFD0] =	vst v0;
	v0 =	vadd.f32 v3, v4  }
0x127: {  	v3 =	vld [tilespmem:s30+$0xFFFFFF20]  }
0x128: {  	v4 =	vld [tilespmem:s1+$0xFFFFFF60];
	[tilespmem:s29+$0x10] =	vst v0;
	v0 =	vadd.f32 v2, v7  }
0x129: {  	v2 =	vld [tilespmem:s30+$0xFFFFFF60]  }
0x12a: {  	v7 =	vld [tilespmem:s1+$0xFFFFFFA0];
	[tilespmem:s29+$0x50] =	vst v0;
	v0 =	vadd.f32 v6, v5  }
0x12b: {  	v5 =	vld [tilespmem:s30+$0xFFFFFFA0]  }
0x12c: {  	v1 =	vadd.f32 v3, v1;
	v3 =	vld [tilespmem:s1+$0xFFFFFFE0];
	[tilespmem:s29+$0x90] =	vst v0  }
0x12d: {  	v0 =	vld [tilespmem:s30+$0xFFFFFFE0]  }
0x12e: {  	[tilespmem:s29+$0xFFFFFF20] =	vst v1;
	v1 =	vadd.f32 v2, v4;
	v2 =	vld [tilespmem:s1+$0x20]  }
0x12f: {  	v4 =	vld [tilespmem:s30+$0x20]  }
0x130: {  	[tilespmem:s29+$0xFFFFFF60] =	vst v1;
	v1 =	vadd.f32 v5, v7;
	v5 =	vld [tilespmem:s1+$0x60]  }
0x131: {  	v6 =	vld [tilespmem:s30+$0x60]  }
0x132: {  	[tilespmem:s29+$0xFFFFFFA0] =	vst v1;
	v0 =	vadd.f32 v0, v3;
	v1 =	vld [tilespmem:s1+$0xA0]  }
0x133: {  	v3 =	vld [tilespmem:s30+$0xA0]  }
0x134: {  	v7 =	vld [tilespmem:s1+$0xFFFFFF30];
	[tilespmem:s29+$0xFFFFFFE0] =	vst v0;
	v0 =	vadd.f32 v4, v2  }
0x135: {  	v2 =	vld [tilespmem:s30+$0xFFFFFF30]  }
0x136: {  	v4 =	vld [tilespmem:s1+$0xFFFFFF70];
	[tilespmem:s29+$0x20] =	vst v0;
	v0 =	vadd.f32 v6, v5  }
0x137: {  	v5 =	vld [tilespmem:s30+$0xFFFFFF70]  }
0x138: {  	v6 =	vld [tilespmem:s1+$0xFFFFFFB0];
	[tilespmem:s29+$0x60] =	vst v0;
	v0 =	vadd.f32 v3, v1  }
0x139: {  	v1 =	vld [tilespmem:s30+$0xFFFFFFB0]  }
0x13a: {  	v2 =	vadd.f32 v2, v7;
	v7 =	vld [tilespmem:s1+$0xFFFFFFF0];
	[tilespmem:s29+$0xA0] =	vst v0  }
0x13b: {  	v8 =	vld [tilespmem:s30+$0xFFFFFFF0]  }
0x13c: {  	[tilespmem:s29+$0xFFFFFF30] =	vst v2;
	v2 =	vadd.f32 v5, v4;
	v0 =	vld [tilespmem:s1+$0x30]  }
.Ltmp3:
0x13d: {  	v3 =	vld [tilespmem:s30+$0x30];
	(pc) =	sbr.rel @p0 .LBB2_5-.Ltmp3, $4  }
0x13e: {  	[tilespmem:s29+$0xFFFFFF70] =	vst v2;
	v2 =	vadd.f32 v1, v6;
	v1 =	vld [tilespmem:s1+$0x70]  }
0x13f: {  	v4 =	vld [tilespmem:s30+$0x70]  }
0x140: {  	[tilespmem:s29+$0xFFFFFFB0] =	vst v2;
	v6 =	vadd.f32 v8, v7;
	v2 =	vld [tilespmem:s1+$0xB0]  }
0x141: {  	s1 =	sadd.s32 $0x200, s1;
	v5 =	vld [tilespmem:s30+$0xB0]  }
0x142: {  	_ =	sdelay $0x1  }
0x143: {  	v0 =	vadd.f32 v3, v0  }
.Ltmp4:
0x144: {  	[tilespmem:s29+$0xFFFFFFF0] =	vst v6;
	s1 =	sadd.s32 s4, s28;
	v1 =	vadd.f32 v4, v1;
	(pc) =	sbr.rel @p1 .LBB2_8-.Ltmp4, $4  }
0x145: {  	s1 =	smul.u32 $0x640, s1;
	[tilespmem:s29+$0x30] =	vst v0;
	v63 =	vadd.f32 v5, v2  }
0x146: {  	[tilespmem:s29+$0x70] =	vst v1  }
0x147: {  	s1 =	sadd.s32 s2, s1;
	[tilespmem:s29+$0xB0] =	vst v63  }
0x148: {  	[hbm4b:s1+s3] =	stream.linear.scatter [tilespmem:s22], [sflag:$0x4], $0x3200, $0x38;
	[tilespmem:$0x15E00] =	vst v63  }
0x149: {  	s1 =	smul.u32 $0x640, s26;
	_ =	sdelay $0x1  }
.Ltmp5:
0x14a: {  	s1 =	sshra.s32 s1, $0x2;
	(pc) =	sbr.rel .LBB2_2-.Ltmp5, $4  }
0x14b: {  	s28 =	sadd.s32 $0x258, s1  }
0x14c: {  	[tilespmem:s16], [sflag:$0x2] =	stream.indirect.gather [hbm4b:s6+s11], $0x40, s28, s11, $0xb8;
	[tilespmem:$0x15E00] =	vst v63  }
0x14d: {  	s26 =	sadd.s32 $0x1, s26;
	s1 =	sadd.s32 $0x2D8, s1  }
0x14e: {  	[tilespmem:s18], [sflag:$0x2] =	stream.indirect.gather [hbm4b:s6+s13], $0x40, s1, s13, $0xb8;
	[tilespmem:$0x15E00] =	vst v63  }
.LBB2_9:
0x14f: {  	_ =	sfence.sel $0x180000  }
0x150: {  	[bflag:$0x0] =	sbarrier.arrive $0xFFFF  }
0x151: {  	_ =	strace $0x90000047  }
0x152: {  	[bflag:$0x2] =	sbarrier.arrive $0xFFFF  }
0x153: {  	p0 =	sne.s32 s0, $0x0;
	s0 =	rddreg [dreg:$0x2]  }
0x154: {  	s0 =	sadd.s32 @!p0 $0x100000, s0  }
0x155: {  	[sflag:s0] =	ssyncadd.tile.s32 @!p0 $0x1;
	_ =	shalt  }
.Lfunc_end2:
_tile_overlayer_lowered:
.L_overlay_start_2:
0x156: {  	(tag) =	ssettag $0x2  }
0x157: {  	s0 =	rddreg [dreg:$0x0];
	s2 =	stileid.u32  }
0x158: {  	s1 =	rddreg [dreg:$0x1];
	p0 =	sne.s32 s2, $0x0  }
0x159: {  	s3 =	rddreg [dreg:$0x2];
	[bflag:$0x3] =	sbarrier.arrive $0xFFFF;
	s2 =	simm.s32 @!p0 $0x1C05  }
0x15a: {  	[timem:s3], [sflag:s2] =	dma.local @!p0 [hbm:s0], s1  }
0x15b: {  	s0 =	simm.s32 @!p0 $0x5  }
0x15c: {  	_ =	swait.ge @!p0 [sflag:s0], s1  }
0x15d: {  	s1 =	ssub.s32 @!p0 $0x0, s1;
	[sflag:s0] =	ssyncset.done @!p0 $0x0  }
0x15e: {  	[sflag:s0] =	ssyncadd.s32 @!p0 s1  }
0x15f: {  	[bflag:$0x3] =	sbarrier.arrive $0xFFFF  }
0x160: {  	_ =	shalt  }

// kernel: sparse-core-data-format-call.cloned.1.call-start
scs
called_computation_lowered:
.L_overlay_start_0:
0x0: {  	s2 =	sld [smem:$0x3FD9]  }
0x1: {  	s3 =	sld [smem:$0x3FFE];
	_ =	sdelay $0x1  }
0x2: {  	s1 =	srdreg.scid  }
0x3: {  	s0 =	sand.u32 $0x1, s1  }
0x4: {  	s18 =	sshll.u32 s0, $0xA;
	s2 =	sadd.s32 s3, s2  }
0x5: {  	s2 =	sadd.s32 s2, s18  }
0x6: {  	[smem:$0x3FC5] =	sst s2  }
0x7: {  	_ = 	snop  }
0x8: {  	s2 =	sld [smem:$0x3FD0];
	(tm) =	ssettm $0x1  }
0x9: {  	s19 =	sld [smem:$0x3FFB];
	_ =	sdelay $0x3  }
0xa: {  	_ =	strace s19  }
0xb: {  	s3 =	sld [smem:$0x3FFC];
	_ =	sdelay $0x3  }
0xc: {  	_ =	strace s3  }
0xd: {  	s3 =	sld [smem:$0x3FFD];
	_ =	sdelay $0x3  }
0xe: {  	_ =	strace s3  }
0xf: {  	_ =	strace $0x8FFFFFFF  }
0x10: {  	s20 =	sld [smem:$0x3FDB];
	_ =	sdelay $0x1  }
0x11: {  	s4 =	simm.s32 $_scs_section_size  }
0x12: {  	s5 =	simm.s32 $_size__tile_overlayer_lowered;
	s6 =	simm.s32 $_tile_overlayer_lowered  }
0x13: {  	s23 =	simm.s32 $0x1BFF;
	s22 =	sshll.u32 s6, $0x1;
	s3 =	sadd.s32 s4, s20  }
0x14: {  	s7 =	simm.s32 $0x0;
	s21 =	sshll.u32 s5, $0x1;
	s5 =	sadd.s32 s22, s3  }
0x15: {  	[timem:s7], [sflag:s23] =	dma.local [hbm:s5], s21  }
0x16: {  	_ =	swait.ge [sflag:s23], s21  }
0x17: {  	s4 =	ssub.s32 $0x0, s21;
	[sflag:s23] =	ssyncset.done $0x0  }
0x18: {  	[sflag:s23] =	ssyncadd.s32 s4;
	_ =	sdelay $0x1  }
0x19: {  	s24 =	simm.s32 $0x1B8B  }
0x1a: {  	_ =	swait.ge [sflag:s24], $0x1  }
0x1b: {  	[sflag:s24] =	ssyncset.done $0x0  }
0x1c: {  	s26 =	simm.s32 $0x1B8E;
	s25 =	sld [smem:$0x3FFE];
	[sflag:s24] =	ssyncadd.s32 $0xFFFFFFFF  }
0x1d: {  	s27 =	simm.s32 $execute0_lowered;
	[smem:$0x3FD2] =	sst s26  }
0x1e: {  	s5 =	sshll.u32 s27, $0x1;
	_ =	strace $0x80000049;
	[dreg:$0x1] =	wrdreg $0xFFFFFFFF  }
0x1f: {  	s28 =	simm.s32 $_size_execute0_lowered;
	s3 =	sadd.s32 s3, s5;
	[dreg:$0x0] =	wrdreg $0x0  }
0x20: {  	s5 =	sshll.u32 s28, $0x1;
	[dreg:$0x2] =	wrdreg s3  }
0x21: {  	[dreg:$0x3] =	wrdreg s5  }
0x22: {  	[dreg:$0x4] =	wrdreg $0xC0  }
0x23: {  	_ =	task [dreg:s7], $0x5FFFF  }
0x24: {  	[dreg:$0x1] =	wrdreg $0xFFFFFFFF  }
0x25: {  	[dreg:$0x0] =	wrdreg $0x60  }
0x26: {  	[dreg:$0x2] =	wrdreg s25  }
0x27: {  	[dreg:$0x3] =	wrdreg s2  }
0x28: {  	[dreg:$0x4] =	wrdreg $0x9  }
0x29: {  	_ =	task.clear_ibuf [dreg:s7], $0x5FFFF;
	_ =	strace $0x90000049  }
0x2a: {  	s29 =	simm.s32 $0x9;
	_ =	strace $0x8000004B  }
0x2b: {  	_ =	swait.ge [sflag:s29], $0x1  }
0x2c: {  	[sflag:s29] =	ssyncadd.s32 $0xFFFFFFFF  }
0x2d: {  	_ =	strace $0x9000004B  }
0x2e: {  	_ =	sfence  }
0x2f: {  	s30 =	sld [smem:$0x0];
	_ =	sdelay $0x2  }
0x30: {  	s31 =	sshll.u32 s1, $0xD;
	s1 =	sshrl.u32 s1, $0x2  }
0x31: {  	s3 =	sand.u32 $0x4000, s31;
	s1 =	sadd.s32 s1, s30  }
0x32: {  	s0 =	sor.u32 s3, s0;
	s1 =	sshll.u32 s1, $0x11  }
0x33: {  	s0 =	sor.u32 s1, s0  }
0x34: {  	s0 =	sadd.s32 $0x8F2B, s0  }
0x35: {  	[sflag:s0] =	ssyncadd.remote.s32 $0x1  }
0x36: {  	_ =	sfence.sel $0xFFFF  }
0x37: {  	[dreg:$0x0] =	wrdreg $0xFFFFFFFF;
	(pc) =	sbr.abs _section_cstart, $3  }
0x38: {  	[dreg:$0x1] =	wrdreg $0xFFFFFFFF  }
0x39: {  	_ =	task.clear_ibuf [dreg:s7], $0x2FFFF;
	_ =	strace $0x9FFFFFFF  }
0x3a: {  	(tm) =	ssettm $0x7FFFFFFF  }
0x3b: {  	_ =	shalt  }
tec
execute0_lowered:
.L_overlay_start_1:
0x0: {  	(tag) =	ssettag $0x1  }
0x1: {  	s0 =	srdreg.scid  }
0x2: {  	s1 =	sshll.u32 s0, $0x4  }
0x3: {  	s0 =	stileid.u32;
	s1 =	sand.u32 $0x10, s1  }
0x4: {  	s1 =	sor.u32 s0, s1  }
0x5: {  	s6 =	rddreg [dreg:$0x0];
	s4 =	simm.s32 $0x1;
	s2 =	sshll.u32 s1, $0x7  }
0x6: {  	s7 =	simm.s32 $0x2;
	s12 =	simm.s32 $0x0;
	s1 =	ssub.s32 $0x1000, s2  }
0x7: {  	s8 =	simm.s32 $0x8000;
	s13 =	simm.s32 $0x0;
	s3 =	sand.u32 $0xF80, s1  }
0x8: {  	s9 =	simm.s32 $0x0;
	s5 =	sshrl.u32 s1, $0xC;
	p0 =	sne.s32 s3, $0x0  }
.Ltmp0:
0x9: {  	s1 =	rddreg [dreg:$0x2];
	s4 =	simm.s32 @!p0 $0x0;
	(pc) =	sbr.rel .LBB1_1-.Ltmp0, $4  }
0xa: {  	s11 =	simm.s32 $0x0;
	s3 =	rddreg [dreg:$0x1];
	s5 =	sadd.s32 s4, s5  }
0xb: {  	_ =	strace $0x8000004A;
	s4 =	simm.s32 $0x1;
	s5 =	smul.u32 $0xC8, s5  }
0xc: {  	s6 =	sadd.s32 $0xC00, s6;
	s10 =	smov.u32 s2;
	[sflag:s4] =	ssyncpa.u1 $0x0  }
0xd: {  	p0 =	por $0x0, $0x0;
	[sflag:s7] =	ssyncpa.u1 $0x0;
	s7 =	sor.u32 $0x1, s5  }
.LBB1_4:
0xe: {  	s16 =	sshll.u32 s13, $0x3;
	s17 =	sand.u32 $0x78, s13  }
0xf: {  	s30 =	sand.u32 $0x7E00, s13;
	s12 =	sshll.u32 s12, $0xF;
	s16 =	sand.u32 $0xC00, s16  }
0x10: {  	[tilespmem:s15+$0x810 ss:$0x81] =	vst.msk $0xffff, v2;
	s31 =	sand.u32 $0x7, s13;
	s16 =	sor.u32 s17, s16;
	s17 =	sadd.s32 s3, s30  }
0x11: {  	[tilespmem:s15+$0x1020 ss:$0x81] =	vst.msk $0xffff, v0;
	s13 =	sshll.u32 s31, $0x12;
	s12 =	sadd.s32 s12, s17;
	s16 =	sshrl.u32 s16, $0x3  }
0x12: {  	[tilespmem:s15+$0x0 ss:$0x81] =	vst.msk $0xffff, v1;
	s13 =	sor.u32 $0x400, s13;
	s12 =	sadd.s32 s16, s12  }
0x13: {  	[hbm4b:s12+s13] =	stream.strided.scatter [tilespmem:s14], [sflag:$0x2], $0x2000, s8, s13, $0x20;
	[tilespmem:$0x8080] =	vst v63  }
.LBB1_5:
0x14: {  	s14 =	sadd.s32 $0x1, s9  }
0x15: {  	s12 =	sadd.s32 $0x1000, s10;
	s16 =	smov.u32 s10;
	p2 =	sgt.s32 s14, $0xC7  }
0x16: {  	s16 =	smov.u32 @p2 s12  }
0x17: {  	s14 =	simm.s32 @p2 $0x0;
	p2 =	sgt.s32 s16, $0xFFF  }
0x18: {  	s16 =	smov.u32 @p2 s2;
	p2 =	sne.s32 s11, s7  }
.Ltmp1:
0x19: {  	p1 =	slt.u32 s11, $0x2;
	(pc) =	sbr.rel @!p2 .LBB1_6-.Ltmp1, $4  }
0x1a: {  	s15 =	simm.s32 @!p1 $0x2  }
0x1b: {  	s13 =	smov.u32 s10;
	p0 =	por !p0, !p0;
	_ =	swait.ge @!p1 [sflag:s15], $0x2000  }
0x1c: {  	s12 =	smov.u32 s9;
	[sflag:s15] =	ssyncset.done @!p1 $0x0;
	s9 =	smov.u32 s14  }
0x1d: {  	s11 =	sadd.s32 $0x1, s11;
	[sflag:s15] =	ssyncadd.s32 @!p1 $0xFFFFE000;
	s10 =	smov.u32 s16  }
.LBB1_1:
0x1e: {  	p1 =	sge.u32 s11, s5  }
0x1f: {  	s14 =	sand.u32 @!p1 $0x1FFFFFF, s9  }
0x20: {  	s15 =	smulhi.u32 @!p1 $0x147AE15, s14;
	_ =	sdelay $0x1  }
0x21: {  	s15 =	smul.u32 @!p1 $0xC8, s15  }
0x22: {  	s16 =	sxor.u32 @!p1 $0xFFFFFFFF, s11;
	s17 =	smul.u32 @!p1 $0xC80, s10  }
0x23: {  	s31 =	sadd.s32 $0xFFFFFFFF, s11;
	s16 =	sshll.u32 @!p1 s16, $0xD;
	s14 =	ssub.s32 @!p1 s14, s15  }
0x24: {  	s15 =	sand.u32 @!p1 $0x2000, s16;
	s16 =	sadd.s32 @!p1 s6, s17;
	s14 =	sshll.u32 @!p1 s14, $0x4  }
0x25: {  	s17 =	simm.s32 @!p1 $0x6400;
	s14 =	sadd.s32 @!p1 s14, s16;
	s16 =	simm.s32 @!p1 $0x40  }
0x26: {  	[tilespmem:s15], [sflag:$0x1] =	stream.strided.gather @!p1 [hbm4b:s14+s16], $0x2000, s17, s16, $0x38;
	[tilespmem:$0x8080] =	vst v63  }
0x27: {  	p1 =	sge.u32 s31, s5  }
.Ltmp2:
0x28: {  	_ = 	snop;
	(pc) =	sbr.rel @p1 .LBB1_5-.Ltmp2, $1  }
0x29: {  	_ =	sdelay $0x3  }
0x2a: {  	s14 =	simm.s32 $0x1  }
0x2b: {  	_ =	swait.ge [sflag:s4], $0x2000;
	s14 =	simm.s32 @!p0 $0x0  }
0x2c: {  	[sflag:s4] =	ssyncset.done $0x0;
	s15 =	sshll.u32 s14, $0xD  }
0x2d: {  	[sflag:s4] =	ssyncadd.s32 $0xFFFFE000;
	s18 =	sor.u32 $0x20, s15  }
0x2e: {  	s14 =	smul.u32 $0x8100, s14;
	v3 =	vld [tilespmem:s18+$0x10]  }
0x2f: {  	s30 =	sand.u32 $0x1, s11;
	v2 =	vld [tilespmem:s18+$0xFFFFFFF0]  }
0x30: {  	s15 =	smul.u32 $0x8100, s30;
	s14 =	sshrl.u32 s14, $0x2;
	v0 =	vld [tilespmem:s18+$0x0]  }
0x31: {  	v1 =	vld [tilespmem:s18+$0xFFFFFFE0];
	s16 =	sor.u32 $0x4000, s14  }
0x32: {  	s31 =	sshrl.u32 s15, $0x2;
	s15 =	sadd.s32 $0x0, s16  }
0x33: {  	s17 =	simm.s32 $0x4;
	s18 =	sadd.s32 $0x40, s18;
	s14 =	sor.u32 $0x4000, s31;
	[tilespmem:s15+$0x1830 ss:$0x81] =	vst.msk $0xffff, v3  }
.LBB1_3:
0x34: {  	v3 =	vld [tilespmem:s18+$0x10];
	p1 =	sne.s32 s17, $0x1FC;
	[tilespmem:s15+$0x810 ss:$0x81] =	vst.msk $0xffff, v2;
	s19 =	smov.u32 s17;
	s17 =	sadd.s32 $0x4, s17  }
.Ltmp3:
0x35: {  	v2 =	vld [tilespmem:s18+$0xFFFFFFF0];
	[tilespmem:s15+$0x1020 ss:$0x81] =	vst.msk $0xffff, v0;
	(pc) =	sbr.rel @p1 .LBB1_3-.Ltmp3, $4  }
0x36: {  	v0 =	vld [tilespmem:s18+$0x0];
	[tilespmem:s15+$0x0 ss:$0x81] =	vst.msk $0xffff, v1  }
0x37: {  	s15 =	sshra.s32 s19, $0x2;
	v1 =	vld [tilespmem:s18+$0xFFFFFFE0]  }
0x38: {  	s15 =	sadd.s32 s15, s16  }
0x39: {  	s18 =	sadd.s32 $0x40, s18;
	[tilespmem:s15+$0x1830 ss:$0x81] =	vst.msk $0xffff, v3  }
.Ltmp4:
0x3a: {  	_ = 	snop;
	(pc) =	sbr.rel .LBB1_4-.Ltmp4, $1  }
0x3b: {  	_ =	sdelay $0x3  }
.LBB1_6:
0x3c: {  	_ =	sfence.sel $0x180000  }
0x3d: {  	s2 =	simm.s32 $0x1;
	[bflag:$0x0] =	sbarrier.arrive $0xFFFF  }
0x3e: {  	s31 =	simm.s32 $0x2;
	[sflag:s2] =	ssyncpa.u1 $0x1  }
0x3f: {  	[sflag:s31] =	ssyncpa.u1 $0x1  }
0x40: {  	p0 =	sne.s32 s0, $0x0;
	_ =	strace $0x9000004A  }
0x41: {  	s0 =	sadd.s32 @!p0 $0x100000, s1;
	[bflag:$0x2] =	sbarrier.arrive $0xFFFF  }
0x42: {  	[sflag:s0] =	ssyncadd.tile.s32 @!p0 $0x1;
	_ =	shalt  }
.Lfunc_end1:
_tile_overlayer_lowered:
.L_overlay_start_2:
0x43: {  	(tag) =	ssettag $0x2  }
0x44: {  	s0 =	rddreg [dreg:$0x0];
	s2 =	stileid.u32  }
0x45: {  	s1 =	rddreg [dreg:$0x1];
	p0 =	sne.s32 s2, $0x0  }
0x46: {  	s3 =	rddreg [dreg:$0x2];
	[bflag:$0x3] =	sbarrier.arrive $0xFFFF;
	s2 =	simm.s32 @!p0 $0x1C01  }
0x47: {  	[timem:s3], [sflag:s2] =	dma.local @!p0 [hbm:s0], s1  }
0x48: {  	s0 =	simm.s32 @!p0 $0x1  }
0x49: {  	_ =	swait.ge @!p0 [sflag:s0], s1  }
0x4a: {  	s1 =	ssub.s32 @!p0 $0x0, s1;
	[sflag:s0] =	ssyncset.done @!p0 $0x0  }
0x4b: {  	[sflag:s0] =	ssyncadd.s32 @!p0 s1  }
0x4c: {  	[bflag:$0x3] =	sbarrier.arrive $0xFFFF  }
0x4d: {  	_ =	shalt  }

</sc_bundles>
